<compile_context>
chip_gen: v7x
topology: tpu7x:2x2x1
jax: 0.10.2.dev20260603
libtpu: 0.0.44.dev20260713+nightly
codegen_flags: <defaults>
</compile_context>

<pallas_src>
import functools

import jax
import jax.numpy as jnp
import numpy as np
from jax import lax
from jax.experimental import pallas as pl
from jax.experimental.pallas import tpu as pltpu
from jax.experimental.pallas import tpu_sc as plsc

B, W, H, A, C = 16, 52, 52, 9, 80
T = 32
DS = 8.0
IOU_THR = 0.5
ANCHOR_TRAIN_EPOCHS = 30
WH = W * H
N = B * WH * A
TOT = N * C
FLAT_COLS = 512
FLAT_ROWS = TOT // FLAT_COLS
RB = 1560
NBLK = FLAT_ROWS // RB

_W_F = float(W)


CELLS_BLK = 104
DENSE_BLK = CELLS_BLK * A
DENSE_GRID = WH // CELLS_BLK


def _dense_body(x_ref, cum_ref, scell_ref, sb_ref, out_ref, rows_ref):
    pid = pl.program_id(0)

    @pl.when(pid == 0)
    def _():
        out_ref[...] = jnp.zeros_like(out_ref)

    x = x_ref[...]
    sq = jnp.sum(x * x)
    last = jnp.sum(x[..., C - 1])

    rr = lax.broadcasted_iota(jnp.int32, (8, 128), 0)
    cc = lax.broadcasted_iota(jnp.int32, (8, 128), 1)
    contrib = (jnp.where((rr == 0) & (cc == 0), sq, 0.0)
               + jnp.where((rr == 0) & (cc == 1), last, 0.0))
    out_ref[...] += contrib

    i0 = cum_ref[0, 0, pid]
    i1 = cum_ref[0, 0, pid + 1]

    def ebody(i, carry):
        c = scell_ref[0, 0, i]
        b = sb_ref[0, 0, i]
        local = c - pid * CELLS_BLK
        slab = x_ref[pl.ds(local * A, A), :, :]
        bm = lax.broadcasted_iota(jnp.int32, (1, B, 1), 1) == b
        row9 = jnp.sum(jnp.where(bm, slab, 0.0), axis=1)
        rows_ref[pl.ds(i, 1)] = row9[None]
        return carry

    lax.fori_loop(i0, i1, ebody, 0)


def _sig(x):
    return 1.0 / (1.0 + jnp.exp(-x))


PO_GI_BLK = 13
PO_GRID = W // PO_GI_BLK


def _po_body(x_ref, cum_ref, sgi_ref, sb_ref, sdest_ref, out_ref, rows_ref):
    pid = pl.program_id(0)

    @pl.when(pid == 0)
    def _():
        out_ref[...] = jnp.zeros_like(out_ref)

    x = x_ref[...]
    l_io = lax.broadcasted_iota(jnp.int32, x.shape, 0)
    sg = _sig(x)
    d_conf2 = jnp.sum(jnp.where(l_io % 5 == 4, sg * sg, 0.0))
    rr = lax.broadcasted_iota(jnp.int32, (8, 128), 0)
    cc = lax.broadcasted_iota(jnp.int32, (8, 128), 1)
    out_ref[...] += jnp.where((rr == 0) & (cc == 0), d_conf2, 0.0)

    i0 = cum_ref[0, 0, pid]
    i1 = cum_ref[0, 0, pid + 1]

    def ebody(i, carry):
        gil = sgi_ref[0, 0, i] - pid * PO_GI_BLK
        b = sb_ref[0, 0, i]
        dest = sdest_ref[0, 0, i]
        slab = x_ref[pl.ds(gil * (A * 5), A * 5), :, :]
        bm = lax.broadcasted_iota(jnp.int32, (1, B, 1), 1) == b
        rows = jnp.sum(jnp.where(bm, slab, 0.0), axis=1)
        rows_ref[pl.ds(dest, 1)] = rows[None]
        return carry

    lax.fori_loop(i0, i1, ebody, 0)


def _pick(vec2d, lane):
    li = lax.broadcasted_iota(jnp.int32, vec2d.shape, 1)
    return jnp.sum(jnp.where(li == lane, vec2d, 0.0))


def _match_body(po45_ref, po45x_ref, tl_ref, to_ref, cells_ref, anc_ref,
                crs_ref, clsc_ref, perm_ref, out_ref, win_scr, tl_scr):
    b = pl.program_id(0)

    @pl.when(b == 0)
    def _():
        out_ref[...] = jnp.zeros_like(out_ref)
        win_scr[...] = jnp.zeros_like(win_scr)
        tl_scr[...] = jnp.zeros_like(tl_scr)

    to4 = to_ref[0] * (1.0 / DS)
    cx = to4[:, 0:1]
    cy = to4[:, 1:2]
    tw = to4[:, 2:3]
    th = to4[:, 3:4]
    gif = jnp.clip(jnp.floor(cx), 0.0, _W_F - 1.0)
    gjf = jnp.clip(jnp.floor(cy), 0.0, _W_F - 1.0)

    po45 = po45_ref[0]
    gji = gjf.astype(jnp.int32)
    gjm = (lax.broadcasted_iota(jnp.int32, (T, 1, H), 2) == gji[:, :, None])
    g = jnp.sum(jnp.where(gjm, po45, 0.0), axis=2)
    gp = jnp.dot(g, perm_ref[...], preferred_element_type=jnp.float32,
                 precision=lax.Precision.HIGHEST)
    pxs = _sig(gp[:, 0:9]) + gif
    pys = _sig(gp[:, 9:18]) + gjf
    pw = _sig(gp[:, 18:27]) * _W_F
    ph = _sig(gp[:, 27:36]) * _W_F
    conf = _sig(gp[:, 36:45])
    inter = jnp.minimum(pw, tw) * jnp.minimum(ph, th)
    union = pw * ph + tw * th - inter
    iou = inter / (union + 1e-9)
    hit = iou > IOU_THR

    cells_i = (gif * _W_F + gjf).astype(jnp.int32)

    def sbody(t, sup):
        cidx = cells_ref[0, 0, t]
        tio1 = lax.broadcasted_iota(jnp.int32, (T, 1), 0)
        latersame = (cells_i == cidx) & (tio1 > t)
        contrib = jnp.max(jnp.where(latersame & hit, 1.0, 0.0),
                          axis=0, keepdims=True)
        tio = lax.broadcasted_iota(jnp.int32, (T, A), 0)
        return jnp.where(tio == t, jnp.broadcast_to(contrib, (T, A)), sup)

    sup = lax.fori_loop(0, T, sbody, jnp.zeros((T, A), jnp.float32))

    a_io = lax.broadcasted_iota(jnp.int32, (T, A), 1)
    is_n1 = ((cells_i == WH - 1) & (a_io == A - 1)
             & (b == B - 1))
    hitf = hit.astype(jnp.float32)
    wf = hitf * (1.0 - sup) * (1.0 - is_n1.astype(jnp.float32))

    anc = anc_ref[...] * _W_F
    aw = anc[0:1, :]
    ah = anc[1:2, :]
    s_obj = jnp.sum(wf * jnp.square(conf - iou))
    s_noobj = jnp.sum(wf * jnp.square(conf))
    s_prior = jnp.sum(wf * (jnp.square(pw - aw) + jnp.square(ph - ah)))
    s_true = jnp.sum(wf * (jnp.square(pxs - cx) + jnp.square(pys - cy)
                           + jnp.square(pw - tw) + jnp.square(ph - th)))
    crs = crs_ref[0]
    tl = tl_ref[0]
    dot = jnp.sum(crs * tl[:, None, :], axis=2)
    tl2 = jnp.sum(tl * tl, axis=1, keepdims=True)
    cls79 = crs[:, :, C - 1]
    s_score = jnp.sum(wf * (tl2 - 2.0 * dot - 1.0 + 2.0 * cls79))

    rr = lax.broadcasted_iota(jnp.int32, (8, 128), 0)
    cc = lax.broadcasted_iota(jnp.int32, (8, 128), 1)

    def put(i, j, v):
        return jnp.where((rr == i) & (cc == j), v, 0.0)

    out_ref[...] += (put(0, 0, s_obj) + put(0, 1, s_noobj) + put(0, 2, s_prior)
                     + put(0, 3, s_true) + put(0, 4, s_score))

    writer = (~hit) | is_n1
    order = lax.broadcasted_iota(jnp.int32, (T, A), 0) * A + a_io
    mo = jnp.max(jnp.where(writer, order, -1))
    local_valid = mo >= 0
    sf = ((order == mo) & writer).astype(jnp.float32)
    iou_w = jnp.sum(sf * iou)
    rsel = jnp.sum(sf, axis=1, keepdims=True)
    cx_w = jnp.sum(rsel * cx)
    cy_w = jnp.sum(rsel * cy)
    tw_w = jnp.sum(rsel * tw)
    th_w = jnp.sum(rsel * th)
    tl_w = jnp.sum(rsel * tl, axis=0, keepdims=True)

    @pl.when(local_valid)
    def _():
        win_scr[...] = (put(0, 0, 1.0) + put(0, 1, iou_w) + put(0, 2, cx_w)
                        + put(0, 3, cy_w) + put(0, 4, tw_w) + put(0, 5, th_w))
        tl_scr[0:1, :] = tl_w

    @pl.when(b == B - 1)
    def _():
        st = win_scr[0:1, :]
        valid = _pick(st, 0)
        iou_g = _pick(st, 1)
        cx_g = _pick(st, 2)
        cy_g = _pick(st, 3)
        tw_g = _pick(st, 4)
        th_g = _pick(st, 5)
        tl_g = tl_scr[0:1, :]
        pox = po45x_ref[0]

        def pick2(l):
            ri = lax.broadcasted_iota(jnp.int32, pox.shape, 0)
            ci = lax.broadcasted_iota(jnp.int32, pox.shape, 1)
            return jnp.sum(jnp.where((ri == l) & (ci == H - 1), pox, 0.0))

        pxc = _sig(pick2(40)) + (_W_F - 1.0)
        pyc = _sig(pick2(41)) + (_W_F - 1.0)
        pwc = _sig(pick2(42)) * _W_F
        phc = _sig(pick2(43)) * _W_F
        confc = _sig(pick2(44))
        awc = _pick(anc[0:1, :], A - 1)
        ahc = _pick(anc[1:2, :], A - 1)
        cls_c = clsc_ref[...]
        e_obj = jnp.square(confc - iou_g)
        e_noobj = jnp.square(confc)
        e_prior = jnp.square(pwc - awc) + jnp.square(phc - ahc)
        e_true = (jnp.square(pxc - cx_g) + jnp.square(pyc - cy_g)
                  + jnp.square(pwc - tw_g) + jnp.square(phc - th_g))
        e_score = (jnp.sum(tl_g * tl_g) - 2.0 * jnp.sum(cls_c * tl_g)
                   - 1.0 + 2.0 * _pick(cls_c, C - 1))
        out_ref[...] += valid * (put(0, 0, e_obj) + put(0, 1, e_noobj)
                                 + put(0, 2, e_prior) + put(0, 3, e_true)
                                 + put(0, 4, e_score))


_PERM = np.zeros((45, 45), np.float32)
for _a in range(9):
    for _k in range(5):
        _PERM[_a * 5 + _k, _k * 9 + _a] = 1.0


def _sc_gather(table, idx):
    info = plsc.get_sparse_core_info()
    nc, ns = info.num_cores, info.num_subcores
    nw = nc * ns
    nidx = idx.shape[0]
    bpw = nidx // nw
    mesh = plsc.VectorSubcoreMesh(core_axis_name="c", subcore_axis_name="s")

    @functools.partial(
        pl.kernel,
        out_type=jax.ShapeDtypeStruct((nidx, A * C), jnp.float32),
        mesh=mesh,
        compiler_params=pltpu.CompilerParams(use_tc_tiling_on_sc=False),
        scratch_types=[
            pltpu.VMEM((bpw,), jnp.int32),
            pltpu.VMEM((bpw, A * C), jnp.float32),
            pltpu.SemaphoreType.DMA,
        ],
    )
    def gather_k(table_hbm, idx_hbm, out_hbm, idx_v, rows_v, sem):
        wid = lax.axis_index("s") * nc + lax.axis_index("c")
        base = wid * bpw
        pltpu.sync_copy(idx_hbm.at[pl.ds(base, bpw)], idx_v)
        pltpu.async_copy(table_hbm.at[idx_v], rows_v, sem).wait()
        pltpu.sync_copy(rows_v, out_hbm.at[pl.ds(base, bpw)])

    return gather_k(table, idx)


def kernel(epoch, cls_score, pred_object, true_label, true_object, fm_cord,
           fm_size_limit, anchor_wh):
    f32 = jnp.float32
    cls_score = cls_score.astype(f32)
    pred_object = pred_object.astype(f32)

    to = true_object * (1.0 / DS)
    gi = jnp.clip(jnp.floor(to[..., 0]).astype(jnp.int32), 0, W - 1)
    gj = jnp.clip(jnp.floor(to[..., 1]).astype(jnp.int32), 0, H - 1)
    cells = gi * H + gj
    cells_flat = cells.reshape(-1)

    order = jnp.argsort(cells_flat).astype(jnp.int32)
    src = jnp.argsort(order).astype(jnp.int32)
    scell = cells_flat[order]
    sb = order // T
    cum = jnp.searchsorted(
        scell, jnp.arange(DENSE_GRID + 1, dtype=jnp.int32) * CELLS_BLK,
        side="left").astype(jnp.int32)
    cum_p = jnp.zeros((1, 1, 32), jnp.int32).at[0, 0, :DENSE_GRID + 1].set(cum)
    scell_p = scell.reshape(1, 1, B * T)
    sb_p = sb.reshape(1, 1, B * T)

    cls_t3 = jnp.transpose(cls_score, (1, 2, 3, 0, 4)).reshape(WH * A, B, C)
    dense, rows_sorted = pl.pallas_call(
        _dense_body,
        grid=(DENSE_GRID,),
        in_specs=[
            pl.BlockSpec((DENSE_BLK, B, C), lambda i: (i, 0, 0)),
            pl.BlockSpec((1, 1, 32), lambda i: (0, 0, 0),
                         memory_space=pltpu.SMEM),
            pl.BlockSpec((1, 1, B * T), lambda i: (0, 0, 0),
                         memory_space=pltpu.SMEM),
            pl.BlockSpec((1, 1, B * T), lambda i: (0, 0, 0),
                         memory_space=pltpu.SMEM),
        ],
        out_specs=(pl.BlockSpec((8, 128), lambda i: (0, 0)),
                   pl.BlockSpec((B * T, A, C), lambda i: (0, 0, 0))),
        out_shape=(jax.ShapeDtypeStruct((8, 128), f32),
                   jax.ShapeDtypeStruct((B * T, A, C), f32)),
    )(cls_t3, cum_p, scell_p, sb_p)

    crs = _sc_gather(rows_sorted.reshape(B * T, A * C), src).reshape(
        B, T, A, C)

    npad = 8
    scell_g = jnp.concatenate(
        [scell, jnp.full((npad,), WH - 1, jnp.int32)])
    sb_g = jnp.concatenate([sb, jnp.full((npad,), B - 1, jnp.int32)])
    sdest_g = jnp.concatenate(
        [order, jnp.arange(B * T, B * T + npad, dtype=jnp.int32)])
    cum_g = jnp.searchsorted(
        scell_g, jnp.arange(PO_GRID + 1, dtype=jnp.int32) * (PO_GI_BLK * H),
        side="left").astype(jnp.int32)
    cum_gp = jnp.zeros((1, 1, 8), jnp.int32).at[0, 0, :PO_GRID + 1].set(cum_g)
    sgi_g = scell_g // H
    nrow = B * T + npad
    po_t3 = jnp.transpose(pred_object, (1, 3, 4, 0, 2)).reshape(
        W * A * 5, B, H)
    po_sums, po45all = pl.pallas_call(
        _po_body,
        grid=(PO_GRID,),
        in_specs=[
            pl.BlockSpec((PO_GI_BLK * A * 5, B, H), lambda i: (i, 0, 0)),
            pl.BlockSpec((1, 1, 8), lambda i: (0, 0, 0),
                         memory_space=pltpu.SMEM),
            pl.BlockSpec((1, 1, nrow), lambda i: (0, 0, 0),
                         memory_space=pltpu.SMEM),
            pl.BlockSpec((1, 1, nrow), lambda i: (0, 0, 0),
                         memory_space=pltpu.SMEM),
            pl.BlockSpec((1, 1, nrow), lambda i: (0, 0, 0),
                         memory_space=pltpu.SMEM),
        ],
        out_specs=(pl.BlockSpec((8, 128), lambda i: (0, 0)),
                   pl.BlockSpec((nrow, A * 5, H), lambda i: (0, 0, 0))),
        out_shape=(jax.ShapeDtypeStruct((8, 128), f32),
                   jax.ShapeDtypeStruct((nrow, A * 5, H), f32)),
    )(po_t3, cum_gp, sgi_g.reshape(1, 1, nrow), sb_g.reshape(1, 1, nrow),
      sdest_g.reshape(1, 1, nrow))
    po45 = po45all[:B * T].reshape(B, T, A * 5, H)
    po45x = po45all[B * T:B * T + 1]

    cells3 = cells.reshape(B, 1, T)
    anchors2 = jnp.transpose(anchor_wh.astype(f32))
    clsc = cls_score[B - 1, W - 1, H - 1, A - 1].reshape(1, C)
    sums = pl.pallas_call(
        _match_body,
        grid=(B,),
        in_specs=[
            pl.BlockSpec((1, T, A * 5, H), lambda b: (b, 0, 0, 0)),
            pl.BlockSpec((1, A * 5, H), lambda b: (0, 0, 0)),
            pl.BlockSpec((1, T, C), lambda b: (b, 0, 0)),
            pl.BlockSpec((1, T, 4), lambda b: (b, 0, 0)),
            pl.BlockSpec((1, 1, T), lambda b: (b, 0, 0),
                         memory_space=pltpu.SMEM),
            pl.BlockSpec((2, A), lambda b: (0, 0)),
            pl.BlockSpec((1, T, A, C), lambda b: (b, 0, 0, 0)),
            pl.BlockSpec((1, C), lambda b: (0, 0)),
            pl.BlockSpec((45, 45), lambda b: (0, 0)),
        ],
        out_specs=pl.BlockSpec((8, 128), lambda b: (0, 0)),
        out_shape=jax.ShapeDtypeStruct((8, 128), f32),
        scratch_shapes=[
            pltpu.VMEM((8, 128), f32),
            pltpu.VMEM((8, C), f32),
        ],
    )(po45, po45x, true_label.astype(f32), true_object.astype(f32), cells3,
      anchors2, crs, clsc, jnp.asarray(_PERM))

    d_sq = dense[0, 0]
    d_last = dense[0, 1]
    s_obj = sums[0, 0]
    s_noobj = sums[0, 1]
    s_prior = sums[0, 2]
    s_true = sums[0, 3]
    s_score = sums[0, 4]
    d_conf2 = po_sums[0, 0]

    need_prior = jnp.asarray(epoch < ANCHOR_TRAIN_EPOCHS, f32)
    n_f = float(N)
    noobj = 0.25 * (d_conf2 - s_noobj) / n_f
    obj = 2.5 * s_obj / n_f
    prior = need_prior * 2.5 * s_prior / (2.0 * n_f)
    true_l = 2.5 * s_true / (4.0 * n_f)
    score = 2.5 * (d_sq - 2.0 * d_last + n_f + s_score) / (n_f * C)
    return (noobj + obj + prior + true_l + score) / 4.0

# --- scband reference (transcript-rebuilt; emitter-appended) ---
"""Pipeline reference for scband-yolo-loss-33938831573233 (READ-ONLY COPY).

The authoritative reference and input builder live on the scoring server;
editing this copy changes nothing except your own understanding.
"""

import jax, jax.numpy as jnp
import numpy as np

B, W, H, A, C = 16, 52, 52, 9, 80
T = 32
DS = 8.0
IOU_THR = 0.5
SCALE_NOOBJ = 0.5
SCALE_OBJ = 5.0
ANCHOR_TRAIN_EPOCHS = 30


def setup_inputs(seed: int = 0) -> dict:
    key = jax.random.key(seed)
    ks = jax.random.split(key, 6)
    cls_score = jax.random.normal(ks[0], (B, W, H, A, C), dtype=jnp.float32)
    pred_object = jax.random.normal(ks[1], (B, W, H, A, 5), dtype=jnp.float32)
    true_label = jax.random.uniform(ks[2], (B, T, C), dtype=jnp.float32)
    cxcy = jax.random.uniform(ks[3], (B, T, 2), dtype=jnp.float32) * (W * DS)
    wh = jax.random.uniform(ks[4], (B, T, 2), dtype=jnp.float32) * 112.0 + 8.0
    true_object = jnp.concatenate([cxcy, wh], axis=-1)
    gi, gj = jnp.meshgrid(jnp.arange(W), jnp.arange(H), indexing='ij')
    fm_cord = jnp.stack([gi, gj], axis=-1).astype(jnp.float32)
    fm_size_limit = jnp.full((W, H, 2), float(W), dtype=jnp.float32)
    anchor_wh = jax.random.uniform(ks[5], (A, 2), dtype=jnp.float32) * 0.35 + 0.05
    return {"epoch": 10, "cls_score": cls_score, "pred_object": pred_object,
            "true_label": true_label, "true_object": true_object,
            "fm_cord": fm_cord, "fm_size_limit": fm_size_limit, "anchor_wh": anchor_wh}


def _forward(epoch, cls_score, pred_object, true_label, true_object, fm_cord, fm_size_limit, anchor_wh):
    cls_score = cls_score.reshape(-1, W, H, A, C)
    po = pred_object.reshape(-1, W, H, A, 5)
    xy = jax.nn.sigmoid(po[..., :2]) + fm_cord[None, :, :, None, :]
    wh = jax.nn.sigmoid(po[..., 2:4]) * fm_size_limit[None, :, :, None, :]
    conf = jax.nn.sigmoid(po[..., 4])
    pred_box = jnp.concatenate([xy, wh], axis=-1)

    to = true_object / DS
    gi = jnp.clip(jnp.floor(to[..., 0]).astype(jnp.int32), 0, W - 1)
    gj = jnp.clip(jnp.floor(to[..., 1]).astype(jnp.int32), 0, H - 1)
    bidx = jnp.arange(B)[:, None]
    pb = pred_box[bidx, gi, gj]  # [B, T, A, 4] gather at GT cells
    tw = to[..., 2][:, :, None]
    th = to[..., 3][:, :, None]
    # center-aligned IoU: only widths/heights matter
    inter = jnp.minimum(pb[..., 2], tw) * jnp.minimum(pb[..., 3], th)
    union = pb[..., 2] * pb[..., 3] + tw * th - inter
    iou = inter / (union + 1e-9)  # [B, T, A]
    hit = iou > IOU_THR

    bb = jnp.broadcast_to(jnp.arange(B)[:, None, None], (B, T, A))
    ia = jnp.broadcast_to(jnp.arange(A)[None, None, :], (B, T, A))
    idx = ((bb * W + gi[:, :, None]) * H + gj[:, :, None]) * A + ia
    idx = jnp.where(hit, idx, -1)  # -1 dropped by scatter mode='drop'
    flat = idx.reshape(-1)

    N = B * W * H * A
    obj_mask = jnp.zeros(N, jnp.float32).at[flat].set(1.0, mode='drop').reshape(B, W, H, A)
    iou_buf = jnp.zeros(N, jnp.float32).at[flat].set(iou.reshape(-1), mode='drop').reshape(B, W, H, A)
    tb = jnp.broadcast_to(to[:, :, None, :], (B, T, A, 4)).reshape(-1, 4)
    true_bbox = jnp.zeros((N, 4), jnp.float32).at[flat].set(tb, mode='drop').reshape(B, W, H, A, 4)
    base_score = jnp.zeros((N, C), jnp.float32).at[:, -1].set(1.0)
    tl = jnp.broadcast_to(true_label[:, :, None, :], (B, T, A, C)).reshape(-1, C)
    true_score = base_score.at[flat].set(tl, mode='drop').reshape(B, W, H, A, C)

    # buffers were requires_grad=False in the torch module
    obj_mask = jax.lax.stop_gradient(obj_mask)
    iou_buf = jax.lax.stop_gradient(iou_buf)
    true_bbox = jax.lax.stop_gradient(true_bbox)
    true_score = jax.lax.stop_gradient(true_score)

    anchor_full = (anchor_wh * float(W))[None, None, None, :, :]
    need_prior = jnp.asarray(epoch < ANCHOR_TRAIN_EPOCHS, jnp.float32)
    noobj_mask = 1.0 - obj_mask
    noobj_loss = jnp.mean(SCALE_NOOBJ * noobj_mask * 0.5 * jnp.square(conf))
    obj_loss = jnp.mean(SCALE_OBJ * obj_mask * 0.5 * jnp.square(conf - iou_buf))
    prior_loss = jnp.mean(need_prior * SCALE_OBJ * 0.5 * obj_mask[..., None] * jnp.square(wh - anchor_full))
    true_loss = jnp.mean(SCALE_OBJ * 0.5 * obj_mask[..., None] * jnp.square(pred_box - true_bbox))
    score_loss = jnp.mean(SCALE_OBJ * 0.5 * jnp.square(cls_score - true_score))
    return (noobj_loss + obj_loss + prior_loss + true_loss + score_loss) / 4.0


def reference(epoch, cls_score, pred_object, true_label, true_object, fm_cord, fm_size_limit, anchor_wh):
    return _forward(epoch, cls_score, pred_object, true_label, true_object, fm_cord, fm_size_limit, anchor_wh)

if __name__ == "__main__":
    import jax
    _d = setup_inputs()
    print(jax.jit(kernel)(*tuple(_d.values())))

</pallas_src>

<mosaic_0001>
#map = affine_map<(d0, d1) -> (0, 0)>
#map1 = affine_map<(d0, d1) -> (0)>
module attributes {stable_mosaic.version = 14 : i64} {
  func.func @gather_k(%arg0: i32, %arg1: i32, %arg2: memref<512x720xf32, #tpu.memory_space<hbm>>, %arg3: memref<512xi32, #tpu.memory_space<hbm>>, %arg4: memref<512x720xf32, #tpu.memory_space<hbm>>, %arg5: memref<16xi32, #tpu.memory_space<vmem>>, %arg6: memref<16x720xf32, #tpu.memory_space<vmem>>, %arg7: memref<!tpu.dma_semaphore, #tpu.memory_space<semaphore_mem>>) attributes {dimension_semantics = [#tpu.dimension_semantics<core_parallel>, #tpu.dimension_semantics<subcore_parallel>], iteration_bounds = array<i64: 2, 16>, scalar_prefetch = 0 : i64, scratch_operands = 3 : i64, tpu.core_type = #tpu.core_type<sc_vector_subcore>, window_params = [{transform_indices = #map}, {transform_indices = #map1}, {transform_indices = #map}]} {
    %mul3A = arith.constant 2 : i32
    %mul3A_0 = arith.muli %arg1, %mul3A : i32
    %add3A = arith.addi %mul3A_0, %arg0 : i32
    %mul3A_1 = arith.constant 16 : i32
    %mul3A_2 = arith.muli %add3A, %mul3A_1 : i32
    "tpu.region"() ({
      %run_scoped3A = tpu.sem_alloc : memref<!tpu.dma_semaphore, #tpu.memory_space<semaphore_mem>>
      %dma_start3A_7 = tpu.memref_slice %arg3[%mul3A_2] : memref<512xi32, #tpu.memory_space<hbm>> -> memref<16xi32, #tpu.memory_space<hbm>>
      %dma_start3A_8 = tpu.memref_slice %arg3[%mul3A_2] : memref<512xi32, #tpu.memory_space<hbm>> -> memref<16xi32, #tpu.memory_space<hbm>>
      tpu.enqueue_dma source(%dma_start3A_8 : memref<16xi32, #tpu.memory_space<hbm>>) target(%arg5 : memref<16xi32, #tpu.memory_space<vmem>>) target_semaphore(%run_scoped3A : memref<!tpu.dma_semaphore, #tpu.memory_space<semaphore_mem>>)
      %dma_wait3A_9 = tpu.memref_slice %arg3[%mul3A_2] : memref<512xi32, #tpu.memory_space<hbm>> -> memref<16xi32, #tpu.memory_space<hbm>>
      %dma_wait3A_10 = tpu.memref_slice %arg3[%mul3A_2] : memref<512xi32, #tpu.memory_space<hbm>> -> memref<16xi32, #tpu.memory_space<hbm>>
      tpu.wait_dma2 semaphore(%run_scoped3A : memref<!tpu.dma_semaphore, #tpu.memory_space<semaphore_mem>>) src(%dma_wait3A_10 : memref<16xi32, #tpu.memory_space<hbm>>) dst(%arg5 : memref<16xi32, #tpu.memory_space<vmem>>)
      tpu.yield
    }) : () -> ()
    %dma_start3A = arith.constant 0 : i32
    %dma_start3A_3 = arith.constant 0 : i32
    %dma_start3A_4 = tpu.memref_slice %arg2[%dma_start3A, %dma_start3A_3] : memref<512x720xf32, #tpu.memory_space<hbm>> -> memref<512x720xf32, #tpu.memory_space<hbm>>
    tpu.enqueue_indirect_dma source(%dma_start3A_4 : memref<512x720xf32, #tpu.memory_space<hbm>>) target(%arg6 : memref<16x720xf32, #tpu.memory_space<vmem>>) offsets(%arg5 : memref<16xi32, #tpu.memory_space<vmem>>) semaphore(%arg7 : memref<!tpu.dma_semaphore, #tpu.memory_space<semaphore_mem>>)
    %dma_wait3A = arith.constant 0 : i32
    %dma_wait3A_5 = arith.constant 0 : i32
    %dma_wait3A_6 = tpu.memref_slice %arg2[%dma_wait3A, %dma_wait3A_5] : memref<512x720xf32, #tpu.memory_space<hbm>> -> memref<512x720xf32, #tpu.memory_space<hbm>>
    tpu.wait_indirect_dma semaphore(%arg7 : memref<!tpu.dma_semaphore, #tpu.memory_space<semaphore_mem>>) src(%dma_wait3A_6 : memref<512x720xf32, #tpu.memory_space<hbm>>) dst(%arg6 : memref<16x720xf32, #tpu.memory_space<vmem>>)
    "tpu.region"() ({
      %run_scoped3A = tpu.sem_alloc : memref<!tpu.dma_semaphore, #tpu.memory_space<semaphore_mem>>
      %dma_start3A_7 = arith.constant 0 : i32
      %dma_start3A_8 = tpu.memref_slice %arg4[%mul3A_2, %dma_start3A_7] : memref<512x720xf32, #tpu.memory_space<hbm>> -> memref<16x720xf32, #tpu.memory_space<hbm>>
      %dma_start3A_9 = arith.constant 0 : i32
      %dma_start3A_10 = tpu.memref_slice %arg4[%mul3A_2, %dma_start3A_9] : memref<512x720xf32, #tpu.memory_space<hbm>> -> memref<16x720xf32, #tpu.memory_space<hbm>>
      tpu.enqueue_dma source(%arg6 : memref<16x720xf32, #tpu.memory_space<vmem>>) target(%dma_start3A_10 : memref<16x720xf32, #tpu.memory_space<hbm>>) target_semaphore(%run_scoped3A : memref<!tpu.dma_semaphore, #tpu.memory_space<semaphore_mem>>)
      %dma_wait3A_11 = arith.constant 0 : i32
      %dma_wait3A_12 = tpu.memref_slice %arg4[%mul3A_2, %dma_wait3A_11] : memref<512x720xf32, #tpu.memory_space<hbm>> -> memref<16x720xf32, #tpu.memory_space<hbm>>
      %dma_wait3A_13 = arith.constant 0 : i32
      %dma_wait3A_14 = tpu.memref_slice %arg4[%mul3A_2, %dma_wait3A_13] : memref<512x720xf32, #tpu.memory_space<hbm>> -> memref<16x720xf32, #tpu.memory_space<hbm>>
      tpu.wait_dma2 semaphore(%run_scoped3A : memref<!tpu.dma_semaphore, #tpu.memory_space<semaphore_mem>>) src(%arg6 : memref<16x720xf32, #tpu.memory_space<vmem>>) dst(%dma_wait3A_14 : memref<16x720xf32, #tpu.memory_space<hbm>>)
      tpu.yield
    }) : () -> ()
    return
  }
}

module attributes {stable_mosaic.version = 14 : i64} {
  func.func @_dense_body(%arg0: i32, %arg1: memref<936x16x80xf32, #tpu.memory_space<vmem>>, %arg2: memref<1x1x32xi32, #tpu.memory_space<smem>>, %arg3: memref<1x1x512xi32, #tpu.memory_space<smem>>, %arg4: memref<1x1x512xi32, #tpu.memory_space<smem>>, %arg5: memref<8x128xf32, #tpu.memory_space<vmem>>, %arg6: memref<512x9x80xf32, #tpu.memory_space<vmem>>) attributes {dimension_semantics = [#tpu.dimension_semantics<arbitrary>], iteration_bounds = array<i64: 26>, scalar_prefetch = 0 : i64, scratch_operands = 0 : i64, tpu.core_type = #tpu.core_type<tc>, window_params = [{transform_indices = @transform_0, window_bounds = array<i64: 936, 16, 80>}, {transform_indices = @transform_1, window_bounds = array<i64: 1, 1, 32>}, {transform_indices = @transform_2, window_bounds = array<i64: 1, 1, 512>}, {transform_indices = @transform_3, window_bounds = array<i64: 1, 1, 512>}, {pipeline_mode = #tpu.pipeline_mode<synchronous>, transform_indices = @transform_4, window_bounds = array<i64: 8, 128>}, {pipeline_mode = #tpu.pipeline_mode<synchronous>, transform_indices = @transform_5, window_bounds = array<i64: 512, 9, 80>}]} {
    %eq3A = arith.constant 0 : i32
    %eq3A_0 = arith.cmpi eq, %arg0, %eq3A : i32
    %convert_element_type3A = arith.extui %eq3A_0 : i1 to i32
    %cond3A = arith.constant 0 : i32
    %cond3A_1 = arith.cmpi ne, %convert_element_type3A, %cond3A : i32
    scf.if %cond3A_1 {
      %broadcast_in_dim3A_57 = arith.constant 0.000000e+00 : f32
      %broadcast_in_dim3A_58 = vector.broadcast %broadcast_in_dim3A_57 : f32 to vector<8x128xf32>
      %swap3A_59 = arith.constant 0 : index
      %swap3A_60 = arith.constant 0 : index
      %swap3A_61 = vector.load %arg5[%swap3A_59, %swap3A_60] : memref<8x128xf32, #tpu.memory_space<vmem>>, vector<8x128xf32>
      tpu.vector_store %arg5[%swap3A_59, %swap3A_60], %broadcast_in_dim3A_58 {strides = array<i32>} : memref<8x128xf32, #tpu.memory_space<vmem>>, vector<8x128xf32>,
    } else {
    }
    %get3A = arith.constant 0 : index
    %get3A_2 = arith.constant 0 : index
    %get3A_3 = arith.constant 0 : index
    %get3A_4 = vector.load %arg1[%get3A, %get3A_2, %get3A_3] : memref<936x16x80xf32, #tpu.memory_space<vmem>>, vector<936x16x80xf32>
    %mul3A = arith.mulf %get3A_4, %get3A_4 : vector<936x16x80xf32>
    %reduce_sum3A = vector.shape_cast %mul3A : vector<936x16x80xf32> to vector<1x936x16x80xf32>
    %reduce_sum3A_5 = arith.constant dense<0.000000e+00> : vector<1xf32>
    %reduce_sum3A_6 = vector.multi_reduction <add>, %reduce_sum3A, %reduce_sum3A_5 [1, 2, 3] : vector<1x936x16x80xf32> to vector<1xf32>
    %reduce_sum3A_7 = vector.shape_cast %reduce_sum3A_6 : vector<1xf32> to vector<1x1x1x1xf32>
    %reduce_sum3A_8 = vector.extract %reduce_sum3A_7[0, 0, 0, 0] : f32 from vector<1x1x1x1xf32>
    %slice3A = vector.extract_strided_slice %get3A_4 {offsets = [0, 0, 79], sizes = [936, 16, 1], strides = [1, 1, 1]} : vector<936x16x80xf32> to vector<936x16x1xf32>
    %squeeze3A = vector.shape_cast %slice3A : vector<936x16x1xf32> to vector<936x16xf32>
    %reduce_sum3A_9 = vector.shape_cast %squeeze3A : vector<936x16xf32> to vector<1x936x16xf32>
    %reduce_sum3A_10 = arith.constant dense<0.000000e+00> : vector<1xf32>
    %reduce_sum3A_11 = vector.multi_reduction <add>, %reduce_sum3A_9, %reduce_sum3A_10 [1, 2] : vector<1x936x16xf32> to vector<1xf32>
    %reduce_sum3A_12 = vector.shape_cast %reduce_sum3A_11 : vector<1xf32> to vector<1x1x1xf32>
    %reduce_sum3A_13 = vector.extract %reduce_sum3A_12[0, 0, 0] : f32 from vector<1x1x1xf32>
    %iota3A = tpu.iota {dimensions = array<i32: 0>} : vector<8x128xi32>
    %iota3A_14 = tpu.iota {dimensions = array<i32: 1>} : vector<8x128xi32>
    %eq3A_15 = arith.constant 0 : i32
    %eq3A_16 = vector.broadcast %eq3A_15 : i32 to vector<8x128xi32>
    %eq3A_17 = arith.cmpi eq, %iota3A, %eq3A_16 : vector<8x128xi32>
    %eq3A_18 = arith.constant 0 : i32
    %eq3A_19 = vector.broadcast %eq3A_18 : i32 to vector<8x128xi32>
    %eq3A_20 = arith.cmpi eq, %iota3A_14, %eq3A_19 : vector<8x128xi32>
    %and3A = arith.andi %eq3A_17, %eq3A_20 : vector<8x128xi1>
    %jit3A = arith.constant 0.000000e+00 : f32
    %broadcast_in_dim3A = vector.broadcast %reduce_sum3A_8 : f32 to vector<8x128xf32>
    %broadcast_in_dim3A_21 = vector.broadcast %jit3A : f32 to vector<8x128xf32>
    %select_n3A = arith.select %and3A, %broadcast_in_dim3A, %broadcast_in_dim3A_21 : vector<8x128xi1>, vector<8x128xf32>
    %eq3A_22 = arith.constant 0 : i32
    %eq3A_23 = vector.broadcast %eq3A_22 : i32 to vector<8x128xi32>
    %eq3A_24 = arith.cmpi eq, %iota3A, %eq3A_23 : vector<8x128xi32>
    %eq3A_25 = arith.constant 1 : i32
    %eq3A_26 = vector.broadcast %eq3A_25 : i32 to vector<8x128xi32>
    %eq3A_27 = arith.cmpi eq, %iota3A_14, %eq3A_26 : vector<8x128xi32>
    %and3A_28 = arith.andi %eq3A_24, %eq3A_27 : vector<8x128xi1>
    %jit3A_29 = arith.constant 0.000000e+00 : f32
    %broadcast_in_dim3A_30 = vector.broadcast %reduce_sum3A_13 : f32 to vector<8x128xf32>
    %broadcast_in_dim3A_31 = vector.broadcast %jit3A_29 : f32 to vector<8x128xf32>
    %select_n3A_32 = arith.select %and3A_28, %broadcast_in_dim3A_30, %broadcast_in_dim3A_31 : vector<8x128xi1>, vector<8x128xf32>
    %add3A = arith.addf %select_n3A, %select_n3A_32 : vector<8x128xf32>
    %get3A_33 = arith.constant 0 : index
    %get3A_34 = arith.constant 0 : index
    %get3A_35 = vector.load %arg5[%get3A_33, %get3A_34] : memref<8x128xf32, #tpu.memory_space<vmem>>, vector<8x128xf32>
    %add3A_36 = arith.addf %get3A_35, %add3A : vector<8x128xf32>
    %swap3A = arith.constant 0 : index
    %swap3A_37 = arith.constant 0 : index
    %swap3A_38 = vector.load %arg5[%swap3A, %swap3A_37] : memref<8x128xf32, #tpu.memory_space<vmem>>, vector<8x128xf32>
    tpu.vector_store %arg5[%swap3A, %swap3A_37], %add3A_36 {strides = array<i32>} : memref<8x128xf32, #tpu.memory_space<vmem>>, vector<8x128xf32>,
    %get3A_39 = arith.constant 0 : index
    %get3A_40 = arith.constant 0 : index
    %get3A_41 = arith.index_cast %arg0 : i32 to index
    %get3A_42 = memref.load %arg2[%get3A_39, %get3A_40, %get3A_41] : memref<1x1x32xi32, #tpu.memory_space<smem>>
    %add3A_43 = arith.constant 1 : i32
    %add3A_44 = arith.addi %arg0, %add3A_43 : i32
    %get3A_45 = arith.constant 0 : index
    %get3A_46 = arith.constant 0 : index
    %get3A_47 = arith.index_cast %add3A_44 : i32 to index
    %get3A_48 = memref.load %arg2[%get3A_45, %get3A_46, %get3A_47] : memref<1x1x32xi32, #tpu.memory_space<smem>>
    %while3A = arith.constant 0 : i32
    %while3A_49 = arith.subi %get3A_48, %get3A_42 : i32
    %while3A_50 = arith.addi %get3A_42, %while3A_49 : i32
    %while3A_51 = arith.constant 1 : i32
    %while3A_52 = arith.divsi %while3A_49, %while3A_51 : i32
    %while3A_53 = arith.muli %while3A_52, %while3A_51 : i32
    %while3A_54 = arith.addi %get3A_42, %while3A_53 : i32
    %while3A_55 = arith.constant 1 : i32
    scf.for %while3A_57 = %get3A_42 to %while3A_54 step %while3A_55  : i32 {
      %get3A_58 = arith.constant 0 : index
      %get3A_59 = arith.constant 0 : index
      %get3A_60 = arith.index_cast %while3A_57 : i32 to index
      %get3A_61 = memref.load %arg3[%get3A_58, %get3A_59, %get3A_60] : memref<1x1x512xi32, #tpu.memory_space<smem>>
      %get3A_62 = arith.constant 0 : index
      %get3A_63 = arith.constant 0 : index
      %get3A_64 = arith.index_cast %while3A_57 : i32 to index
      %get3A_65 = memref.load %arg4[%get3A_62, %get3A_63, %get3A_64] : memref<1x1x512xi32, #tpu.memory_space<smem>>
      %mul3A_66 = arith.constant 104 : i32
      %mul3A_67 = arith.muli %arg0, %mul3A_66 : i32
      %sub3A = arith.subi %get3A_61, %mul3A_67 : i32
      %mul3A_68 = arith.constant 9 : i32
      %mul3A_69 = arith.muli %sub3A, %mul3A_68 : i32
      %get3A_70 = arith.index_cast %mul3A_69 : i32 to index
      %get3A_71 = arith.constant 0 : index
      %get3A_72 = arith.constant 0 : index
      %get3A_73 = vector.load %arg1[%get3A_70, %get3A_71, %get3A_72] : memref<936x16x80xf32, #tpu.memory_space<vmem>>, vector<9x16x80xf32>
      %iota3A_74 = tpu.iota {dimensions = array<i32: 1>} : vector<1x16x1xi32>
      %eq3A_75 = vector.broadcast %get3A_65 : i32 to vector<1x16x1xi32>
      %eq3A_76 = arith.cmpi eq, %iota3A_74, %eq3A_75 : vector<1x16x1xi32>
      %jit3A_77 = arith.constant 0.000000e+00 : f32
      %broadcast_in_dim3A_78 = vector.shape_cast %eq3A_76 : vector<1x16x1xi1> to vector<1x16x1xi1>
      %broadcast_in_dim3A_79 = vector.broadcast %broadcast_in_dim3A_78 : vector<1x16x1xi1> to vector<9x16x80xi1>
      %broadcast_in_dim3A_80 = vector.broadcast %jit3A_77 : f32 to vector<9x16x80xf32>
      %select_n3A_81 = arith.select %broadcast_in_dim3A_79, %get3A_73, %broadcast_in_dim3A_80 : vector<9x16x80xi1>, vector<9x16x80xf32>
      %reduce_sum3A_82 = arith.constant dense<0.000000e+00> : vector<9x80xf32>
      %reduce_sum3A_83 = vector.multi_reduction <add>, %select_n3A_81, %reduce_sum3A_82 [1] : vector<9x16x80xf32> to vector<9x80xf32>
      %broadcast_in_dim3A_84 = vector.shape_cast %reduce_sum3A_83 : vector<9x80xf32> to vector<1x9x80xf32>
      %swap3A_85 = arith.index_cast %while3A_57 : i32 to index
      %swap3A_86 = arith.constant 0 : index
      %swap3A_87 = arith.constant 0 : index
      %swap3A_88 = vector.load %arg6[%swap3A_85, %swap3A_86, %swap3A_87] : memref<512x9x80xf32, #tpu.memory_space<vmem>>, vector<1x9x80xf32>
      tpu.vector_store %arg6[%swap3A_85, %swap3A_86, %swap3A_87], %broadcast_in_dim3A_84 {strides = array<i32>} : memref<512x9x80xf32, #tpu.memory_space<vmem>>, vector<1x9x80xf32>,
    }
    %while3A_56 = arith.constant 1 : i32
    scf.for %while3A_57 = %while3A_54 to %while3A_50 step %while3A_56  : i32 {
      %get3A_58 = arith.constant 0 : index
      %get3A_59 = arith.constant 0 : index
      %get3A_60 = arith.index_cast %while3A_57 : i32 to index
      %get3A_61 = memref.load %arg3[%get3A_58, %get3A_59, %get3A_60] : memref<1x1x512xi32, #tpu.memory_space<smem>>
      %get3A_62 = arith.constant 0 : index
      %get3A_63 = arith.constant 0 : index
      %get3A_64 = arith.index_cast %while3A_57 : i32 to index
      %get3A_65 = memref.load %arg4[%get3A_62, %get3A_63, %get3A_64] : memref<1x1x512xi32, #tpu.memory_space<smem>>
      %mul3A_66 = arith.constant 104 : i32
      %mul3A_67 = arith.muli %arg0, %mul3A_66 : i32
      %sub3A = arith.subi %get3A_61, %mul3A_67 : i32
      %mul3A_68 = arith.constant 9 : i32
      %mul3A_69 = arith.muli %sub3A, %mul3A_68 : i32
      %get3A_70 = arith.index_cast %mul3A_69 : i32 to index
      %get3A_71 = arith.constant 0 : index
      %get3A_72 = arith.constant 0 : index
      %get3A_73 = vector.load %arg1[%get3A_70, %get3A_71, %get3A_72] : memref<936x16x80xf32, #tpu.memory_space<vmem>>, vector<9x16x80xf32>
      %iota3A_74 = tpu.iota {dimensions = array<i32: 1>} : vector<1x16x1xi32>
      %eq3A_75 = vector.broadcast %get3A_65 : i32 to vector<1x16x1xi32>
      %eq3A_76 = arith.cmpi eq, %iota3A_74, %eq3A_75 : vector<1x16x1xi32>
      %jit3A_77 = arith.constant 0.000000e+00 : f32
      %broadcast_in_dim3A_78 = vector.shape_cast %eq3A_76 : vector<1x16x1xi1> to vector<1x16x1xi1>
      %broadcast_in_dim3A_79 = vector.broadcast %broadcast_in_dim3A_78 : vector<1x16x1xi1> to vector<9x16x80xi1>
      %broadcast_in_dim3A_80 = vector.broadcast %jit3A_77 : f32 to vector<9x16x80xf32>
      %select_n3A_81 = arith.select %broadcast_in_dim3A_79, %get3A_73, %broadcast_in_dim3A_80 : vector<9x16x80xi1>, vector<9x16x80xf32>
      %reduce_sum3A_82 = arith.constant dense<0.000000e+00> : vector<9x80xf32>
      %reduce_sum3A_83 = vector.multi_reduction <add>, %select_n3A_81, %reduce_sum3A_82 [1] : vector<9x16x80xf32> to vector<9x80xf32>
      %broadcast_in_dim3A_84 = vector.shape_cast %reduce_sum3A_83 : vector<9x80xf32> to vector<1x9x80xf32>
      %swap3A_85 = arith.index_cast %while3A_57 : i32 to index
      %swap3A_86 = arith.constant 0 : index
      %swap3A_87 = arith.constant 0 : index
      %swap3A_88 = vector.load %arg6[%swap3A_85, %swap3A_86, %swap3A_87] : memref<512x9x80xf32, #tpu.memory_space<vmem>>, vector<1x9x80xf32>
      tpu.vector_store %arg6[%swap3A_85, %swap3A_86, %swap3A_87], %broadcast_in_dim3A_84 {strides = array<i32>} : memref<512x9x80xf32, #tpu.memory_space<vmem>>, vector<1x9x80xf32>,
    }
    return
  }
  func.func @transform_0(%arg0: i32) -> (i32, i32, i32) {
    %c0_i32 = arith.constant 0 : i32
    %c0_i32_0 = arith.constant 0 : i32
    %c0_i32_1 = arith.constant 0 : i32
    return %arg0, %c0_i32, %c0_i32_0 : i32, i32, i32
  }
  func.func @transform_1(%arg0: i32) -> (i32, i32, i32) {
    %c0_i32 = arith.constant 0 : i32
    %c0_i32_0 = arith.constant 0 : i32
    %c0_i32_1 = arith.constant 0 : i32
    %c0_i32_2 = arith.constant 0 : i32
    return %c0_i32, %c0_i32_0, %c0_i32_1 : i32, i32, i32
  }
  func.func @transform_2(%arg0: i32) -> (i32, i32, i32) {
    %c0_i32 = arith.constant 0 : i32
    %c0_i32_0 = arith.constant 0 : i32
    %c0_i32_1 = arith.constant 0 : i32
    %c0_i32_2 = arith.constant 0 : i32
    return %c0_i32, %c0_i32_0, %c0_i32_1 : i32, i32, i32
  }
  func.func @transform_3(%arg0: i32) -> (i32, i32, i32) {
    %c0_i32 = arith.constant 0 : i32
    %c0_i32_0 = arith.constant 0 : i32
    %c0_i32_1 = arith.constant 0 : i32
    %c0_i32_2 = arith.constant 0 : i32
    return %c0_i32, %c0_i32_0, %c0_i32_1 : i32, i32, i32
  }
  func.func @transform_4(%arg0: i32) -> (i32, i32) {
    %c0_i32 = arith.constant 0 : i32
    %c0_i32_0 = arith.constant 0 : i32
    %c0_i32_1 = arith.constant 0 : i32
    return %c0_i32, %c0_i32_0 : i32, i32
  }
  func.func @transform_5(%arg0: i32) -> (i32, i32, i32) {
    %c0_i32 = arith.constant 0 : i32
    %c0_i32_0 = arith.constant 0 : i32
    %c0_i32_1 = arith.constant 0 : i32
    %c0_i32_2 = arith.constant 0 : i32
    return %c0_i32, %c0_i32_0, %c0_i32_1 : i32, i32, i32
  }
}

module attributes {stable_mosaic.version = 14 : i64} {
  func.func @_po_body(%arg0: i32, %arg1: memref<585x16x52xf32, #tpu.memory_space<vmem>>, %arg2: memref<1x1x8xi32, #tpu.memory_space<smem>>, %arg3: memref<1x1x520xi32, #tpu.memory_space<smem>>, %arg4: memref<1x1x520xi32, #tpu.memory_space<smem>>, %arg5: memref<1x1x520xi32, #tpu.memory_space<smem>>, %arg6: memref<8x128xf32, #tpu.memory_space<vmem>>, %arg7: memref<520x45x52xf32, #tpu.memory_space<vmem>>) attributes {dimension_semantics = [#tpu.dimension_semantics<arbitrary>], iteration_bounds = array<i64: 4>, scalar_prefetch = 0 : i64, scratch_operands = 0 : i64, tpu.core_type = #tpu.core_type<tc>, window_params = [{transform_indices = @transform_0, window_bounds = array<i64: 585, 16, 52>}, {transform_indices = @transform_1, window_bounds = array<i64: 1, 1, 8>}, {transform_indices = @transform_2, window_bounds = array<i64: 1, 1, 520>}, {transform_indices = @transform_3, window_bounds = array<i64: 1, 1, 520>}, {transform_indices = @transform_4, window_bounds = array<i64: 1, 1, 520>}, {pipeline_mode = #tpu.pipeline_mode<synchronous>, transform_indices = @transform_5, window_bounds = array<i64: 8, 128>}, {pipeline_mode = #tpu.pipeline_mode<synchronous>, transform_indices = @transform_6, window_bounds = array<i64: 520, 45, 52>}]} {
    %eq3A = arith.constant 0 : i32
    %eq3A_0 = arith.cmpi eq, %arg0, %eq3A : i32
    %convert_element_type3A = arith.extui %eq3A_0 : i1 to i32
    %cond3A = arith.constant 0 : i32
    %cond3A_1 = arith.cmpi ne, %convert_element_type3A, %cond3A : i32
    scf.if %cond3A_1 {
      %broadcast_in_dim3A_73 = arith.constant 0.000000e+00 : f32
      %broadcast_in_dim3A_74 = vector.broadcast %broadcast_in_dim3A_73 : f32 to vector<8x128xf32>
      %swap3A_75 = arith.constant 0 : index
      %swap3A_76 = arith.constant 0 : index
      %swap3A_77 = vector.load %arg6[%swap3A_75, %swap3A_76] : memref<8x128xf32, #tpu.memory_space<vmem>>, vector<8x128xf32>
      tpu.vector_store %arg6[%swap3A_75, %swap3A_76], %broadcast_in_dim3A_74 {strides = array<i32>} : memref<8x128xf32, #tpu.memory_space<vmem>>, vector<8x128xf32>,
    } else {
    }
    %get3A = arith.constant 0 : index
    %get3A_2 = arith.constant 0 : index
    %get3A_3 = arith.constant 0 : index
    %get3A_4 = vector.load %arg1[%get3A, %get3A_2, %get3A_3] : memref<585x16x52xf32, #tpu.memory_space<vmem>>, vector<585x16x52xf32>
    %iota3A = tpu.iota {dimensions = array<i32: 0>} : vector<585x16x52xi32>
    %neg3A = arith.constant 0.000000e+00 : f32
    %neg3A_5 = vector.broadcast %neg3A : f32 to vector<585x16x52xf32>
    %neg3A_6 = arith.subf %neg3A_5, %get3A_4 : vector<585x16x52xf32>
    %exp3A = math.exp %neg3A_6 : vector<585x16x52xf32>
    %add3A = arith.constant 1.000000e+00 : f32
    %add3A_7 = vector.broadcast %add3A : f32 to vector<585x16x52xf32>
    %add3A_8 = arith.addf %add3A_7, %exp3A : vector<585x16x52xf32>
    %div3A = arith.constant 1.000000e+00 : f32
    %div3A_9 = vector.broadcast %div3A : f32 to vector<585x16x52xf32>
    %div3A_10 = arith.divf %div3A_9, %add3A_8 : vector<585x16x52xf32>
    %jit3A = arith.constant 5 : i32
    %eq3A_11 = arith.constant 0 : i32
    %eq3A_12 = arith.cmpi eq, %jit3A, %eq3A_11 : i32
    %jit3A_13 = arith.constant 1 : i32
    %select_n3A = arith.select %eq3A_12, %jit3A_13, %jit3A : i32
    %rem3A = vector.broadcast %select_n3A : i32 to vector<585x16x52xi32>
    %rem3A_14 = arith.remsi %iota3A, %rem3A : vector<585x16x52xi32>
    %ne3A = arith.constant 0 : i32
    %ne3A_15 = vector.broadcast %ne3A : i32 to vector<585x16x52xi32>
    %ne3A_16 = arith.cmpi ne, %rem3A_14, %ne3A_15 : vector<585x16x52xi32>
    %lt3A = arith.constant 0 : i32
    %lt3A_17 = vector.broadcast %lt3A : i32 to vector<585x16x52xi32>
    %lt3A_18 = arith.cmpi slt, %rem3A_14, %lt3A_17 : vector<585x16x52xi32>
    %lt3A_19 = arith.constant 0 : i32
    %lt3A_20 = arith.cmpi slt, %select_n3A, %lt3A_19 : i32
    %ne3A_21 = vector.broadcast %lt3A_20 : i1 to vector<585x16x52xi1>
    %ne3A_22 = vector.broadcast %ne3A_21 : vector<585x16x52xi1> to vector<585x16x52xi1>
    %ne3A_23 = arith.xori %lt3A_18, %ne3A_22 : vector<585x16x52xi1>
    %and3A = arith.andi %ne3A_23, %ne3A_16 : vector<585x16x52xi1>
    %add3A_24 = vector.broadcast %select_n3A : i32 to vector<585x16x52xi32>
    %add3A_25 = arith.addi %rem3A_14, %add3A_24 : vector<585x16x52xi32>
    %select_n3A_26 = arith.select %and3A, %add3A_25, %rem3A_14 : vector<585x16x52xi1>, vector<585x16x52xi32>
    %eq3A_27 = arith.constant 4 : i32
    %eq3A_28 = vector.broadcast %eq3A_27 : i32 to vector<585x16x52xi32>
    %eq3A_29 = arith.cmpi eq, %select_n3A_26, %eq3A_28 : vector<585x16x52xi32>
    %mul3A = arith.mulf %div3A_10, %div3A_10 : vector<585x16x52xf32>
    %jit3A_30 = arith.constant 0.000000e+00 : f32
    %broadcast_in_dim3A = vector.broadcast %jit3A_30 : f32 to vector<585x16x52xf32>
    %select_n3A_31 = arith.select %eq3A_29, %mul3A, %broadcast_in_dim3A : vector<585x16x52xi1>, vector<585x16x52xf32>
    %reduce_sum3A = vector.shape_cast %select_n3A_31 : vector<585x16x52xf32> to vector<1x585x16x52xf32>
    %reduce_sum3A_32 = arith.constant dense<0.000000e+00> : vector<1xf32>
    %reduce_sum3A_33 = vector.multi_reduction <add>, %reduce_sum3A, %reduce_sum3A_32 [1, 2, 3] : vector<1x585x16x52xf32> to vector<1xf32>
    %reduce_sum3A_34 = vector.shape_cast %reduce_sum3A_33 : vector<1xf32> to vector<1x1x1x1xf32>
    %reduce_sum3A_35 = vector.extract %reduce_sum3A_34[0, 0, 0, 0] : f32 from vector<1x1x1x1xf32>
    %iota3A_36 = tpu.iota {dimensions = array<i32: 0>} : vector<8x128xi32>
    %iota3A_37 = tpu.iota {dimensions = array<i32: 1>} : vector<8x128xi32>
    %get3A_38 = arith.constant 0 : index
    %get3A_39 = arith.constant 0 : index
    %get3A_40 = vector.load %arg6[%get3A_38, %get3A_39] : memref<8x128xf32, #tpu.memory_space<vmem>>, vector<8x128xf32>
    %eq3A_41 = arith.constant 0 : i32
    %eq3A_42 = vector.broadcast %eq3A_41 : i32 to vector<8x128xi32>
    %eq3A_43 = arith.cmpi eq, %iota3A_36, %eq3A_42 : vector<8x128xi32>
    %eq3A_44 = arith.constant 0 : i32
    %eq3A_45 = vector.broadcast %eq3A_44 : i32 to vector<8x128xi32>
    %eq3A_46 = arith.cmpi eq, %iota3A_37, %eq3A_45 : vector<8x128xi32>
    %and3A_47 = arith.andi %eq3A_43, %eq3A_46 : vector<8x128xi1>
    %jit3A_48 = arith.constant 0.000000e+00 : f32
    %broadcast_in_dim3A_49 = vector.broadcast %reduce_sum3A_35 : f32 to vector<8x128xf32>
    %broadcast_in_dim3A_50 = vector.broadcast %jit3A_48 : f32 to vector<8x128xf32>
    %select_n3A_51 = arith.select %and3A_47, %broadcast_in_dim3A_49, %broadcast_in_dim3A_50 : vector<8x128xi1>, vector<8x128xf32>
    %add3A_52 = arith.addf %get3A_40, %select_n3A_51 : vector<8x128xf32>
    %swap3A = arith.constant 0 : index
    %swap3A_53 = arith.constant 0 : index
    %swap3A_54 = vector.load %arg6[%swap3A, %swap3A_53] : memref<8x128xf32, #tpu.memory_space<vmem>>, vector<8x128xf32>
    tpu.vector_store %arg6[%swap3A, %swap3A_53], %add3A_52 {strides = array<i32>} : memref<8x128xf32, #tpu.memory_space<vmem>>, vector<8x128xf32>,
    %get3A_55 = arith.constant 0 : index
    %get3A_56 = arith.constant 0 : index
    %get3A_57 = arith.index_cast %arg0 : i32 to index
    %get3A_58 = memref.load %arg2[%get3A_55, %get3A_56, %get3A_57] : memref<1x1x8xi32, #tpu.memory_space<smem>>
    %add3A_59 = arith.constant 1 : i32
    %add3A_60 = arith.addi %arg0, %add3A_59 : i32
    %get3A_61 = arith.constant 0 : index
    %get3A_62 = arith.constant 0 : index
    %get3A_63 = arith.index_cast %add3A_60 : i32 to index
    %get3A_64 = memref.load %arg2[%get3A_61, %get3A_62, %get3A_63] : memref<1x1x8xi32, #tpu.memory_space<smem>>
    %while3A = arith.constant 0 : i32
    %while3A_65 = arith.subi %get3A_64, %get3A_58 : i32
    %while3A_66 = arith.addi %get3A_58, %while3A_65 : i32
    %while3A_67 = arith.constant 1 : i32
    %while3A_68 = arith.divsi %while3A_65, %while3A_67 : i32
    %while3A_69 = arith.muli %while3A_68, %while3A_67 : i32
    %while3A_70 = arith.addi %get3A_58, %while3A_69 : i32
    %while3A_71 = arith.constant 1 : i32
    scf.for %while3A_73 = %get3A_58 to %while3A_70 step %while3A_71  : i32 {
      %get3A_74 = arith.constant 0 : index
      %get3A_75 = arith.constant 0 : index
      %get3A_76 = arith.index_cast %while3A_73 : i32 to index
      %get3A_77 = memref.load %arg3[%get3A_74, %get3A_75, %get3A_76] : memref<1x1x520xi32, #tpu.memory_space<smem>>
      %mul3A_78 = arith.constant 13 : i32
      %mul3A_79 = arith.muli %arg0, %mul3A_78 : i32
      %sub3A = arith.subi %get3A_77, %mul3A_79 : i32
      %get3A_80 = arith.constant 0 : index
      %get3A_81 = arith.constant 0 : index
      %get3A_82 = arith.index_cast %while3A_73 : i32 to index
      %get3A_83 = memref.load %arg4[%get3A_80, %get3A_81, %get3A_82] : memref<1x1x520xi32, #tpu.memory_space<smem>>
      %get3A_84 = arith.constant 0 : index
      %get3A_85 = arith.constant 0 : index
      %get3A_86 = arith.index_cast %while3A_73 : i32 to index
      %get3A_87 = memref.load %arg5[%get3A_84, %get3A_85, %get3A_86] : memref<1x1x520xi32, #tpu.memory_space<smem>>
      %mul3A_88 = arith.constant 45 : i32
      %mul3A_89 = arith.muli %sub3A, %mul3A_88 : i32
      %get3A_90 = arith.index_cast %mul3A_89 : i32 to index
      %get3A_91 = arith.constant 0 : index
      %get3A_92 = arith.constant 0 : index
      %get3A_93 = vector.load %arg1[%get3A_90, %get3A_91, %get3A_92] : memref<585x16x52xf32, #tpu.memory_space<vmem>>, vector<45x16x52xf32>
      %iota3A_94 = tpu.iota {dimensions = array<i32: 1>} : vector<1x16x1xi32>
      %eq3A_95 = vector.broadcast %get3A_83 : i32 to vector<1x16x1xi32>
      %eq3A_96 = arith.cmpi eq, %iota3A_94, %eq3A_95 : vector<1x16x1xi32>
      %jit3A_97 = arith.constant 0.000000e+00 : f32
      %broadcast_in_dim3A_98 = vector.shape_cast %eq3A_96 : vector<1x16x1xi1> to vector<1x16x1xi1>
      %broadcast_in_dim3A_99 = vector.broadcast %broadcast_in_dim3A_98 : vector<1x16x1xi1> to vector<45x16x52xi1>
      %broadcast_in_dim3A_100 = vector.broadcast %jit3A_97 : f32 to vector<45x16x52xf32>
      %select_n3A_101 = arith.select %broadcast_in_dim3A_99, %get3A_93, %broadcast_in_dim3A_100 : vector<45x16x52xi1>, vector<45x16x52xf32>
      %reduce_sum3A_102 = arith.constant dense<0.000000e+00> : vector<45x52xf32>
      %reduce_sum3A_103 = vector.multi_reduction <add>, %select_n3A_101, %reduce_sum3A_102 [1] : vector<45x16x52xf32> to vector<45x52xf32>
      %broadcast_in_dim3A_104 = vector.shape_cast %reduce_sum3A_103 : vector<45x52xf32> to vector<1x45x52xf32>
      %swap3A_105 = arith.index_cast %get3A_87 : i32 to index
      %swap3A_106 = arith.constant 0 : index
      %swap3A_107 = arith.constant 0 : index
      %swap3A_108 = vector.load %arg7[%swap3A_105, %swap3A_106, %swap3A_107] : memref<520x45x52xf32, #tpu.memory_space<vmem>>, vector<1x45x52xf32>
      tpu.vector_store %arg7[%swap3A_105, %swap3A_106, %swap3A_107], %broadcast_in_dim3A_104 {strides = array<i32>} : memref<520x45x52xf32, #tpu.memory_space<vmem>>, vector<1x45x52xf32>,
    }
    %while3A_72 = arith.constant 1 : i32
    scf.for %while3A_73 = %while3A_70 to %while3A_66 step %while3A_72  : i32 {
      %get3A_74 = arith.constant 0 : index
      %get3A_75 = arith.constant 0 : index
      %get3A_76 = arith.index_cast %while3A_73 : i32 to index
      %get3A_77 = memref.load %arg3[%get3A_74, %get3A_75, %get3A_76] : memref<1x1x520xi32, #tpu.memory_space<smem>>
      %mul3A_78 = arith.constant 13 : i32
      %mul3A_79 = arith.muli %arg0, %mul3A_78 : i32
      %sub3A = arith.subi %get3A_77, %mul3A_79 : i32
      %get3A_80 = arith.constant 0 : index
      %get3A_81 = arith.constant 0 : index
      %get3A_82 = arith.index_cast %while3A_73 : i32 to index
      %get3A_83 = memref.load %arg4[%get3A_80, %get3A_81, %get3A_82] : memref<1x1x520xi32, #tpu.memory_space<smem>>
      %get3A_84 = arith.constant 0 : index
      %get3A_85 = arith.constant 0 : index
      %get3A_86 = arith.index_cast %while3A_73 : i32 to index
      %get3A_87 = memref.load %arg5[%get3A_84, %get3A_85, %get3A_86] : memref<1x1x520xi32, #tpu.memory_space<smem>>
      %mul3A_88 = arith.constant 45 : i32
      %mul3A_89 = arith.muli %sub3A, %mul3A_88 : i32
      %get3A_90 = arith.index_cast %mul3A_89 : i32 to index
      %get3A_91 = arith.constant 0 : index
      %get3A_92 = arith.constant 0 : index
      %get3A_93 = vector.load %arg1[%get3A_90, %get3A_91, %get3A_92] : memref<585x16x52xf32, #tpu.memory_space<vmem>>, vector<45x16x52xf32>
      %iota3A_94 = tpu.iota {dimensions = array<i32: 1>} : vector<1x16x1xi32>
      %eq3A_95 = vector.broadcast %get3A_83 : i32 to vector<1x16x1xi32>
      %eq3A_96 = arith.cmpi eq, %iota3A_94, %eq3A_95 : vector<1x16x1xi32>
      %jit3A_97 = arith.constant 0.000000e+00 : f32
      %broadcast_in_dim3A_98 = vector.shape_cast %eq3A_96 : vector<1x16x1xi1> to vector<1x16x1xi1>
      %broadcast_in_dim3A_99 = vector.broadcast %broadcast_in_dim3A_98 : vector<1x16x1xi1> to vector<45x16x52xi1>
      %broadcast_in_dim3A_100 = vector.broadcast %jit3A_97 : f32 to vector<45x16x52xf32>
      %select_n3A_101 = arith.select %broadcast_in_dim3A_99, %get3A_93, %broadcast_in_dim3A_100 : vector<45x16x52xi1>, vector<45x16x52xf32>
      %reduce_sum3A_102 = arith.constant dense<0.000000e+00> : vector<45x52xf32>
      %reduce_sum3A_103 = vector.multi_reduction <add>, %select_n3A_101, %reduce_sum3A_102 [1] : vector<45x16x52xf32> to vector<45x52xf32>
      %broadcast_in_dim3A_104 = vector.shape_cast %reduce_sum3A_103 : vector<45x52xf32> to vector<1x45x52xf32>
      %swap3A_105 = arith.index_cast %get3A_87 : i32 to index
      %swap3A_106 = arith.constant 0 : index
      %swap3A_107 = arith.constant 0 : index
      %swap3A_108 = vector.load %arg7[%swap3A_105, %swap3A_106, %swap3A_107] : memref<520x45x52xf32, #tpu.memory_space<vmem>>, vector<1x45x52xf32>
      tpu.vector_store %arg7[%swap3A_105, %swap3A_106, %swap3A_107], %broadcast_in_dim3A_104 {strides = array<i32>} : memref<520x45x52xf32, #tpu.memory_space<vmem>>, vector<1x45x52xf32>,
    }
    return
  }
  func.func @transform_0(%arg0: i32) -> (i32, i32, i32) {
    %c0_i32 = arith.constant 0 : i32
    %c0_i32_0 = arith.constant 0 : i32
    %c0_i32_1 = arith.constant 0 : i32
    return %arg0, %c0_i32, %c0_i32_0 : i32, i32, i32
  }
  func.func @transform_1(%arg0: i32) -> (i32, i32, i32) {
    %c0_i32 = arith.constant 0 : i32
    %c0_i32_0 = arith.constant 0 : i32
    %c0_i32_1 = arith.constant 0 : i32
    %c0_i32_2 = arith.constant 0 : i32
    return %c0_i32, %c0_i32_0, %c0_i32_1 : i32, i32, i32
  }
  func.func @transform_2(%arg0: i32) -> (i32, i32, i32) {
    %c0_i32 = arith.constant 0 : i32
    %c0_i32_0 = arith.constant 0 : i32
    %c0_i32_1 = arith.constant 0 : i32
    %c0_i32_2 = arith.constant 0 : i32
    return %c0_i32, %c0_i32_0, %c0_i32_1 : i32, i32, i32
  }
  func.func @transform_3(%arg0: i32) -> (i32, i32, i32) {
    %c0_i32 = arith.constant 0 : i32
    %c0_i32_0 = arith.constant 0 : i32
    %c0_i32_1 = arith.constant 0 : i32
    %c0_i32_2 = arith.constant 0 : i32
    return %c0_i32, %c0_i32_0, %c0_i32_1 : i32, i32, i32
  }
  func.func @transform_4(%arg0: i32) -> (i32, i32, i32) {
    %c0_i32 = arith.constant 0 : i32
    %c0_i32_0 = arith.constant 0 : i32
    %c0_i32_1 = arith.constant 0 : i32
    %c0_i32_2 = arith.constant 0 : i32
    return %c0_i32, %c0_i32_0, %c0_i32_1 : i32, i32, i32
  }
  func.func @transform_5(%arg0: i32) -> (i32, i32) {
    %c0_i32 = arith.constant 0 : i32
    %c0_i32_0 = arith.constant 0 : i32
    %c0_i32_1 = arith.constant 0 : i32
    return %c0_i32, %c0_i32_0 : i32, i32
  }
  func.func @transform_6(%arg0: i32) -> (i32, i32, i32) {
    %c0_i32 = arith.constant 0 : i32
    %c0_i32_0 = arith.constant 0 : i32
    %c0_i32_1 = arith.constant 0 : i32
    %c0_i32_2 = arith.constant 0 : i32
    return %c0_i32, %c0_i32_0, %c0_i32_1 : i32, i32, i32
  }
}

module attributes {stable_mosaic.version = 14 : i64} {
  func.func @_match_body(%arg0: i32, %arg1: memref<1x32x45x52xf32, #tpu.memory_space<vmem>>, %arg2: memref<1x45x52xf32, #tpu.memory_space<vmem>>, %arg3: memref<1x32x80xf32, #tpu.memory_space<vmem>>, %arg4: memref<1x32x4xf32, #tpu.memory_space<vmem>>, %arg5: memref<1x1x32xi32, #tpu.memory_space<smem>>, %arg6: memref<2x9xf32, #tpu.memory_space<vmem>>, %arg7: memref<1x32x9x80xf32, #tpu.memory_space<vmem>>, %arg8: memref<1x80xf32, #tpu.memory_space<vmem>>, %arg9: memref<45x45xf32, #tpu.memory_space<vmem>>, %arg10: memref<8x128xf32, #tpu.memory_space<vmem>>, %arg11: memref<8x128xf32, #tpu.memory_space<vmem>>, %arg12: memref<8x80xf32, #tpu.memory_space<vmem>>) attributes {dimension_semantics = [#tpu.dimension_semantics<arbitrary>], iteration_bounds = array<i64: 16>, scalar_prefetch = 0 : i64, scratch_operands = 2 : i64, tpu.core_type = #tpu.core_type<tc>, window_params = [{transform_indices = @transform_0, window_bounds = array<i64: 1, 32, 45, 52>}, {pipeline_mode = #tpu.pipeline_mode<synchronous>, transform_indices = @transform_1, window_bounds = array<i64: 1, 45, 52>}, {transform_indices = @transform_2, window_bounds = array<i64: 1, 32, 80>}, {transform_indices = @transform_3, window_bounds = array<i64: 1, 32, 4>}, {transform_indices = @transform_4, window_bounds = array<i64: 1, 1, 32>}, {pipeline_mode = #tpu.pipeline_mode<synchronous>, transform_indices = @transform_5, window_bounds = array<i64: 2, 9>}, {transform_indices = @transform_6, window_bounds = array<i64: 1, 32, 9, 80>}, {pipeline_mode = #tpu.pipeline_mode<synchronous>, transform_indices = @transform_7, window_bounds = array<i64: 1, 80>}, {pipeline_mode = #tpu.pipeline_mode<synchronous>, transform_indices = @transform_8, window_bounds = array<i64: 45, 45>}, {pipeline_mode = #tpu.pipeline_mode<synchronous>, transform_indices = @transform_9, window_bounds = array<i64: 8, 128>}]} {
    %eq3A = arith.constant 0 : i32
    %eq3A_0 = arith.cmpi eq, %arg0, %eq3A : i32
    %convert_element_type3A = arith.extui %eq3A_0 : i1 to i32
    %cond3A = arith.constant 0 : i32
    %cond3A_1 = arith.cmpi ne, %convert_element_type3A, %cond3A : i32
    scf.if %cond3A_1 {
      %broadcast_in_dim3A_378 = arith.constant 0.000000e+00 : f32
      %broadcast_in_dim3A_379 = vector.broadcast %broadcast_in_dim3A_378 : f32 to vector<8x128xf32>
      %swap3A_380 = arith.constant 0 : index
      %swap3A_381 = arith.constant 0 : index
      %swap3A_382 = vector.load %arg10[%swap3A_380, %swap3A_381] : memref<8x128xf32, #tpu.memory_space<vmem>>, vector<8x128xf32>
      tpu.vector_store %arg10[%swap3A_380, %swap3A_381], %broadcast_in_dim3A_379 {strides = array<i32>} : memref<8x128xf32, #tpu.memory_space<vmem>>, vector<8x128xf32>,
      %broadcast_in_dim3A_383 = arith.constant 0.000000e+00 : f32
      %broadcast_in_dim3A_384 = vector.broadcast %broadcast_in_dim3A_383 : f32 to vector<8x128xf32>
      %swap3A_385 = arith.constant 0 : index
      %swap3A_386 = arith.constant 0 : index
      %swap3A_387 = vector.load %arg11[%swap3A_385, %swap3A_386] : memref<8x128xf32, #tpu.memory_space<vmem>>, vector<8x128xf32>
      tpu.vector_store %arg11[%swap3A_385, %swap3A_386], %broadcast_in_dim3A_384 {strides = array<i32>} : memref<8x128xf32, #tpu.memory_space<vmem>>, vector<8x128xf32>,
      %broadcast_in_dim3A_388 = arith.constant 0.000000e+00 : f32
      %broadcast_in_dim3A_389 = vector.broadcast %broadcast_in_dim3A_388 : f32 to vector<8x80xf32>
      %swap3A_390 = arith.constant 0 : index
      %swap3A_391 = arith.constant 0 : index
      %swap3A_392 = vector.load %arg12[%swap3A_390, %swap3A_391] : memref<8x80xf32, #tpu.memory_space<vmem>>, vector<8x80xf32>
      tpu.vector_store %arg12[%swap3A_390, %swap3A_391], %broadcast_in_dim3A_389 {strides = array<i32>} : memref<8x80xf32, #tpu.memory_space<vmem>>, vector<8x80xf32>,
    } else {
    }
    %get3A = arith.constant 0 : index
    %get3A_2 = arith.constant 0 : index
    %get3A_3 = arith.constant 0 : index
    %get3A_4 = vector.load %arg4[%get3A, %get3A_2, %get3A_3] : memref<1x32x4xf32, #tpu.memory_space<vmem>>, vector<1x32x4xf32>
    %get3A_5 = vector.shape_cast %get3A_4 : vector<1x32x4xf32> to vector<32x4xf32>
    %mul3A = arith.constant 1.250000e-01 : f32
    %mul3A_6 = vector.broadcast %mul3A : f32 to vector<32x4xf32>
    %mul3A_7 = arith.mulf %get3A_5, %mul3A_6 : vector<32x4xf32>
    %slice3A = vector.extract_strided_slice %mul3A_7 {offsets = [0, 0], sizes = [32, 1], strides = [1, 1]} : vector<32x4xf32> to vector<32x1xf32>
    %slice3A_8 = vector.extract_strided_slice %mul3A_7 {offsets = [0, 1], sizes = [32, 1], strides = [1, 1]} : vector<32x4xf32> to vector<32x1xf32>
    %slice3A_9 = vector.extract_strided_slice %mul3A_7 {offsets = [0, 2], sizes = [32, 1], strides = [1, 1]} : vector<32x4xf32> to vector<32x1xf32>
    %slice3A_10 = vector.extract_strided_slice %mul3A_7 {offsets = [0, 3], sizes = [32, 1], strides = [1, 1]} : vector<32x4xf32> to vector<32x1xf32>
    %floor3A = math.floor %slice3A : vector<32x1xf32>
    %jit3A = arith.constant 0.000000e+00 : f32
    %jit3A_11 = arith.constant 5.100000e+01 : f32
    %max3A = vector.broadcast %jit3A : f32 to vector<32x1xf32>
    %max3A_12 = arith.maximumf %max3A, %floor3A : vector<32x1xf32>
    %min3A = vector.broadcast %jit3A_11 : f32 to vector<32x1xf32>
    %min3A_13 = arith.minimumf %min3A, %max3A_12 : vector<32x1xf32>
    %floor3A_14 = math.floor %slice3A_8 : vector<32x1xf32>
    %jit3A_15 = arith.constant 0.000000e+00 : f32
    %jit3A_16 = arith.constant 5.100000e+01 : f32
    %max3A_17 = vector.broadcast %jit3A_15 : f32 to vector<32x1xf32>
    %max3A_18 = arith.maximumf %max3A_17, %floor3A_14 : vector<32x1xf32>
    %min3A_19 = vector.broadcast %jit3A_16 : f32 to vector<32x1xf32>
    %min3A_20 = arith.minimumf %min3A_19, %max3A_18 : vector<32x1xf32>
    %get3A_21 = arith.constant 0 : index
    %get3A_22 = arith.constant 0 : index
    %get3A_23 = arith.constant 0 : index
    %get3A_24 = arith.constant 0 : index
    %get3A_25 = vector.load %arg1[%get3A_21, %get3A_22, %get3A_23, %get3A_24] : memref<1x32x45x52xf32, #tpu.memory_space<vmem>>, vector<1x32x45x52xf32>
    %get3A_26 = vector.shape_cast %get3A_25 : vector<1x32x45x52xf32> to vector<32x45x52xf32>
    %convert_element_type3A_27 = arith.fptosi %min3A_20 : vector<32x1xf32> to vector<32x1xi32>
    %iota3A = tpu.iota {dimensions = array<i32: 2>} : vector<32x1x52xi32>
    %broadcast_in_dim3A = vector.shape_cast %convert_element_type3A_27 : vector<32x1xi32> to vector<32x1x1xi32>
    %eq3A_28 = vector.broadcast %broadcast_in_dim3A : vector<32x1x1xi32> to vector<32x1x52xi32>
    %eq3A_29 = arith.cmpi eq, %iota3A, %eq3A_28 : vector<32x1x52xi32>
    %jit3A_30 = arith.constant 0.000000e+00 : f32
    %broadcast_in_dim3A_31 = vector.shape_cast %eq3A_29 : vector<32x1x52xi1> to vector<32x1x52xi1>
    %broadcast_in_dim3A_32 = vector.broadcast %broadcast_in_dim3A_31 : vector<32x1x52xi1> to vector<32x45x52xi1>
    %broadcast_in_dim3A_33 = vector.broadcast %jit3A_30 : f32 to vector<32x45x52xf32>
    %select_n3A = arith.select %broadcast_in_dim3A_32, %get3A_26, %broadcast_in_dim3A_33 : vector<32x45x52xi1>, vector<32x45x52xf32>
    %reduce_sum3A = arith.constant dense<0.000000e+00> : vector<32x45xf32>
    %reduce_sum3A_34 = vector.multi_reduction <add>, %select_n3A, %reduce_sum3A [2] : vector<32x45x52xf32> to vector<32x45xf32>
    %get3A_35 = arith.constant 0 : index
    %get3A_36 = arith.constant 0 : index
    %get3A_37 = vector.load %arg9[%get3A_35, %get3A_36] : memref<45x45xf32, #tpu.memory_space<vmem>>, vector<45x45xf32>
    %dot_general3A = arith.constant dense<0.000000e+00> : vector<32x45xf32>
    %dot_general3A_38 = tpu.matmul %reduce_sum3A_34, %get3A_37, %dot_general3A {dimension_numbers = #tpu.dot_dimension_numbers<[1], [0], [0], [1], [0, 0, 1, 1], [], []>, precision = #tpu.contract_precision<fp32>, transpose_lhs_hint = false} : vector<32x45xf32>, vector<45x45xf32>, vector<32x45xf32> -> vector<32x45xf32>
    %slice3A_39 = vector.extract_strided_slice %dot_general3A_38 {offsets = [0, 0], sizes = [32, 9], strides = [1, 1]} : vector<32x45xf32> to vector<32x9xf32>
    %neg3A = arith.constant 0.000000e+00 : f32
    %neg3A_40 = vector.broadcast %neg3A : f32 to vector<32x9xf32>
    %neg3A_41 = arith.subf %neg3A_40, %slice3A_39 : vector<32x9xf32>
    %exp3A = math.exp %neg3A_41 : vector<32x9xf32>
    %add3A = arith.constant 1.000000e+00 : f32
    %add3A_42 = vector.broadcast %add3A : f32 to vector<32x9xf32>
    %add3A_43 = arith.addf %add3A_42, %exp3A : vector<32x9xf32>
    %div3A = arith.constant 1.000000e+00 : f32
    %div3A_44 = vector.broadcast %div3A : f32 to vector<32x9xf32>
    %div3A_45 = arith.divf %div3A_44, %add3A_43 : vector<32x9xf32>
    %add3A_46 = vector.broadcast %min3A_13 : vector<32x1xf32> to vector<32x9xf32>
    %add3A_47 = arith.addf %div3A_45, %add3A_46 : vector<32x9xf32>
    %slice3A_48 = vector.extract_strided_slice %dot_general3A_38 {offsets = [0, 9], sizes = [32, 9], strides = [1, 1]} : vector<32x45xf32> to vector<32x9xf32>
    %neg3A_49 = arith.constant 0.000000e+00 : f32
    %neg3A_50 = vector.broadcast %neg3A_49 : f32 to vector<32x9xf32>
    %neg3A_51 = arith.subf %neg3A_50, %slice3A_48 : vector<32x9xf32>
    %exp3A_52 = math.exp %neg3A_51 : vector<32x9xf32>
    %add3A_53 = arith.constant 1.000000e+00 : f32
    %add3A_54 = vector.broadcast %add3A_53 : f32 to vector<32x9xf32>
    %add3A_55 = arith.addf %add3A_54, %exp3A_52 : vector<32x9xf32>
    %div3A_56 = arith.constant 1.000000e+00 : f32
    %div3A_57 = vector.broadcast %div3A_56 : f32 to vector<32x9xf32>
    %div3A_58 = arith.divf %div3A_57, %add3A_55 : vector<32x9xf32>
    %add3A_59 = vector.broadcast %min3A_20 : vector<32x1xf32> to vector<32x9xf32>
    %add3A_60 = arith.addf %div3A_58, %add3A_59 : vector<32x9xf32>
    %slice3A_61 = vector.extract_strided_slice %dot_general3A_38 {offsets = [0, 18], sizes = [32, 9], strides = [1, 1]} : vector<32x45xf32> to vector<32x9xf32>
    %neg3A_62 = arith.constant 0.000000e+00 : f32
    %neg3A_63 = vector.broadcast %neg3A_62 : f32 to vector<32x9xf32>
    %neg3A_64 = arith.subf %neg3A_63, %slice3A_61 : vector<32x9xf32>
    %exp3A_65 = math.exp %neg3A_64 : vector<32x9xf32>
    %add3A_66 = arith.constant 1.000000e+00 : f32
    %add3A_67 = vector.broadcast %add3A_66 : f32 to vector<32x9xf32>
    %add3A_68 = arith.addf %add3A_67, %exp3A_65 : vector<32x9xf32>
    %div3A_69 = arith.constant 1.000000e+00 : f32
    %div3A_70 = vector.broadcast %div3A_69 : f32 to vector<32x9xf32>
    %div3A_71 = arith.divf %div3A_70, %add3A_68 : vector<32x9xf32>
    %mul3A_72 = arith.constant 5.200000e+01 : f32
    %mul3A_73 = vector.broadcast %mul3A_72 : f32 to vector<32x9xf32>
    %mul3A_74 = arith.mulf %div3A_71, %mul3A_73 : vector<32x9xf32>
    %slice3A_75 = vector.extract_strided_slice %dot_general3A_38 {offsets = [0, 27], sizes = [32, 9], strides = [1, 1]} : vector<32x45xf32> to vector<32x9xf32>
    %neg3A_76 = arith.constant 0.000000e+00 : f32
    %neg3A_77 = vector.broadcast %neg3A_76 : f32 to vector<32x9xf32>
    %neg3A_78 = arith.subf %neg3A_77, %slice3A_75 : vector<32x9xf32>
    %exp3A_79 = math.exp %neg3A_78 : vector<32x9xf32>
    %add3A_80 = arith.constant 1.000000e+00 : f32
    %add3A_81 = vector.broadcast %add3A_80 : f32 to vector<32x9xf32>
    %add3A_82 = arith.addf %add3A_81, %exp3A_79 : vector<32x9xf32>
    %div3A_83 = arith.constant 1.000000e+00 : f32
    %div3A_84 = vector.broadcast %div3A_83 : f32 to vector<32x9xf32>
    %div3A_85 = arith.divf %div3A_84, %add3A_82 : vector<32x9xf32>
    %mul3A_86 = arith.constant 5.200000e+01 : f32
    %mul3A_87 = vector.broadcast %mul3A_86 : f32 to vector<32x9xf32>
    %mul3A_88 = arith.mulf %div3A_85, %mul3A_87 : vector<32x9xf32>
    %slice3A_89 = vector.extract_strided_slice %dot_general3A_38 {offsets = [0, 36], sizes = [32, 9], strides = [1, 1]} : vector<32x45xf32> to vector<32x9xf32>
    %neg3A_90 = arith.constant 0.000000e+00 : f32
    %neg3A_91 = vector.broadcast %neg3A_90 : f32 to vector<32x9xf32>
    %neg3A_92 = arith.subf %neg3A_91, %slice3A_89 : vector<32x9xf32>
    %exp3A_93 = math.exp %neg3A_92 : vector<32x9xf32>
    %add3A_94 = arith.constant 1.000000e+00 : f32
    %add3A_95 = vector.broadcast %add3A_94 : f32 to vector<32x9xf32>
    %add3A_96 = arith.addf %add3A_95, %exp3A_93 : vector<32x9xf32>
    %div3A_97 = arith.constant 1.000000e+00 : f32
    %div3A_98 = vector.broadcast %div3A_97 : f32 to vector<32x9xf32>
    %div3A_99 = arith.divf %div3A_98, %add3A_96 : vector<32x9xf32>
    %min3A_100 = vector.broadcast %slice3A_9 : vector<32x1xf32> to vector<32x9xf32>
    %min3A_101 = arith.minimumf %mul3A_74, %min3A_100 : vector<32x9xf32>
    %min3A_102 = vector.broadcast %slice3A_10 : vector<32x1xf32> to vector<32x9xf32>
    %min3A_103 = arith.minimumf %mul3A_88, %min3A_102 : vector<32x9xf32>
    %mul3A_104 = arith.mulf %min3A_101, %min3A_103 : vector<32x9xf32>
    %mul3A_105 = arith.mulf %mul3A_74, %mul3A_88 : vector<32x9xf32>
    %mul3A_106 = arith.mulf %slice3A_9, %slice3A_10 : vector<32x1xf32>
    %add3A_107 = vector.broadcast %mul3A_106 : vector<32x1xf32> to vector<32x9xf32>
    %add3A_108 = arith.addf %mul3A_105, %add3A_107 : vector<32x9xf32>
    %sub3A = arith.subf %add3A_108, %mul3A_104 : vector<32x9xf32>
    %add3A_109 = arith.constant 9.99999971E-10 : f32
    %add3A_110 = vector.broadcast %add3A_109 : f32 to vector<32x9xf32>
    %add3A_111 = arith.addf %sub3A, %add3A_110 : vector<32x9xf32>
    %div3A_112 = arith.divf %mul3A_104, %add3A_111 : vector<32x9xf32>
    %gt3A = arith.constant 5.000000e-01 : f32
    %gt3A_113 = vector.broadcast %gt3A : f32 to vector<32x9xf32>
    %gt3A_114 = arith.cmpf ogt, %div3A_112, %gt3A_113 : vector<32x9xf32>
    %mul3A_115 = arith.constant 5.200000e+01 : f32
    %mul3A_116 = vector.broadcast %mul3A_115 : f32 to vector<32x1xf32>
    %mul3A_117 = arith.mulf %min3A_13, %mul3A_116 : vector<32x1xf32>
    %add3A_118 = arith.addf %mul3A_117, %min3A_20 : vector<32x1xf32>
    %convert_element_type3A_119 = arith.fptosi %add3A_118 : vector<32x1xf32> to vector<32x1xi32>
    %broadcast_in_dim3A_120 = arith.constant 0.000000e+00 : f32
    %broadcast_in_dim3A_121 = vector.broadcast %broadcast_in_dim3A_120 : f32 to vector<32x9xf32>
    %scan3A = arith.constant 0 : i32
    %scan3A_122 = arith.constant 32 : i32
    %scan3A_123 = arith.addi %scan3A, %scan3A_122 : i32
    %scan3A_124 = arith.constant 1 : i32
    %scan3A_125 = scf.for %scan3A_378 = %scan3A to %scan3A_123 step %scan3A_124 iter_args(%scan3A_379 = %broadcast_in_dim3A_121) -> (vector<32x9xf32>)  : i32 {
      %get3A_380 = arith.constant 0 : index
      %get3A_381 = arith.constant 0 : index
      %get3A_382 = arith.index_cast %scan3A_378 : i32 to index
      %get3A_383 = memref.load %arg5[%get3A_380, %get3A_381, %get3A_382] : memref<1x1x32xi32, #tpu.memory_space<smem>>
      %iota3A_384 = tpu.iota {dimensions = array<i32: 0>} : vector<32x1xi32>
      %eq3A_385 = vector.broadcast %get3A_383 : i32 to vector<32x1xi32>
      %eq3A_386 = arith.cmpi eq, %convert_element_type3A_119, %eq3A_385 : vector<32x1xi32>
      %gt3A_387 = vector.broadcast %scan3A_378 : i32 to vector<32x1xi32>
      %gt3A_388 = arith.cmpi sgt, %iota3A_384, %gt3A_387 : vector<32x1xi32>
      %and3A_389 = arith.andi %eq3A_386, %gt3A_388 : vector<32x1xi1>
      %and3A_390 = vector.broadcast %and3A_389 : vector<32x1xi1> to vector<32x9xi1>
      %and3A_391 = arith.andi %and3A_390, %gt3A_114 : vector<32x9xi1>
      %jit3A_392 = arith.constant 1.000000e+00 : f32
      %jit3A_393 = arith.constant 0.000000e+00 : f32
      %broadcast_in_dim3A_394 = vector.broadcast %jit3A_392 : f32 to vector<32x9xf32>
      %broadcast_in_dim3A_395 = vector.broadcast %jit3A_393 : f32 to vector<32x9xf32>
      %select_n3A_396 = arith.select %and3A_391, %broadcast_in_dim3A_394, %broadcast_in_dim3A_395 : vector<32x9xi1>, vector<32x9xf32>
      %reduce_max3A_397 = arith.constant dense<0xFF800000> : vector<9xf32>
      %reduce_max3A_398 = vector.multi_reduction <maximumf>, %select_n3A_396, %reduce_max3A_397 [0] : vector<32x9xf32> to vector<9xf32>
      %broadcast_in_dim3A_399 = vector.shape_cast %reduce_max3A_398 : vector<9xf32> to vector<1x9xf32>
      %iota3A_400 = tpu.iota {dimensions = array<i32: 0>} : vector<32x9xi32>
      %eq3A_401 = vector.broadcast %scan3A_378 : i32 to vector<32x9xi32>
      %eq3A_402 = arith.cmpi eq, %iota3A_400, %eq3A_401 : vector<32x9xi32>
      %broadcast_in_dim3A_403 = vector.shape_cast %broadcast_in_dim3A_399 : vector<1x9xf32> to vector<1x9xf32>
      %broadcast_in_dim3A_404 = vector.broadcast %broadcast_in_dim3A_403 : vector<1x9xf32> to vector<32x9xf32>
      %select_n3A_405 = arith.select %eq3A_402, %broadcast_in_dim3A_404, %scan3A_379 : vector<32x9xi1>, vector<32x9xf32>
      scf.yield %select_n3A_405 : vector<32x9xf32>
    }
    %scan3A_126 = arith.constant 32 : i32
    %iota3A_127 = tpu.iota {dimensions = array<i32: 1>} : vector<32x9xi32>
    %eq3A_128 = arith.constant 2703 : i32
    %eq3A_129 = vector.broadcast %eq3A_128 : i32 to vector<32x1xi32>
    %eq3A_130 = arith.cmpi eq, %convert_element_type3A_119, %eq3A_129 : vector<32x1xi32>
    %eq3A_131 = arith.constant 8 : i32
    %eq3A_132 = vector.broadcast %eq3A_131 : i32 to vector<32x9xi32>
    %eq3A_133 = arith.cmpi eq, %iota3A_127, %eq3A_132 : vector<32x9xi32>
    %and3A = vector.broadcast %eq3A_130 : vector<32x1xi1> to vector<32x9xi1>
    %and3A_134 = arith.andi %and3A, %eq3A_133 : vector<32x9xi1>
    %eq3A_135 = arith.constant 15 : i32
    %eq3A_136 = arith.cmpi eq, %arg0, %eq3A_135 : i32
    %and3A_137 = vector.broadcast %eq3A_136 : i1 to vector<32x9xi1>
    %and3A_138 = arith.andi %and3A_134, %and3A_137 : vector<32x9xi1>
    %convert_element_type3A_139 = arith.extui %gt3A_114 : vector<32x9xi1> to vector<32x9xi32>
    %convert_element_type3A_140 = arith.sitofp %convert_element_type3A_139 : vector<32x9xi32> to vector<32x9xf32>
    %sub3A_141 = arith.constant 1.000000e+00 : f32
    %sub3A_142 = vector.broadcast %sub3A_141 : f32 to vector<32x9xf32>
    %sub3A_143 = arith.subf %sub3A_142, %scan3A_125 : vector<32x9xf32>
    %mul3A_144 = arith.mulf %convert_element_type3A_140, %sub3A_143 : vector<32x9xf32>
    %convert_element_type3A_145 = arith.extui %and3A_138 : vector<32x9xi1> to vector<32x9xi32>
    %convert_element_type3A_146 = arith.sitofp %convert_element_type3A_145 : vector<32x9xi32> to vector<32x9xf32>
    %sub3A_147 = arith.constant 1.000000e+00 : f32
    %sub3A_148 = vector.broadcast %sub3A_147 : f32 to vector<32x9xf32>
    %sub3A_149 = arith.subf %sub3A_148, %convert_element_type3A_146 : vector<32x9xf32>
    %mul3A_150 = arith.mulf %mul3A_144, %sub3A_149 : vector<32x9xf32>
    %get3A_151 = arith.constant 0 : index
    %get3A_152 = arith.constant 0 : index
    %get3A_153 = vector.load %arg6[%get3A_151, %get3A_152] : memref<2x9xf32, #tpu.memory_space<vmem>>, vector<2x9xf32>
    %mul3A_154 = arith.constant 5.200000e+01 : f32
    %mul3A_155 = vector.broadcast %mul3A_154 : f32 to vector<2x9xf32>
    %mul3A_156 = arith.mulf %get3A_153, %mul3A_155 : vector<2x9xf32>
    %slice3A_157 = vector.extract_strided_slice %mul3A_156 {offsets = [0, 0], sizes = [1, 9], strides = [1, 1]} : vector<2x9xf32> to vector<1x9xf32>
    %slice3A_158 = vector.extract_strided_slice %mul3A_156 {offsets = [1, 0], sizes = [1, 9], strides = [1, 1]} : vector<2x9xf32> to vector<1x9xf32>
    %sub3A_159 = arith.subf %div3A_99, %div3A_112 : vector<32x9xf32>
    %square3A = arith.mulf %sub3A_159, %sub3A_159 : vector<32x9xf32>
    %mul3A_160 = arith.mulf %mul3A_150, %square3A : vector<32x9xf32>
    %reduce_sum3A_161 = vector.shape_cast %mul3A_160 : vector<32x9xf32> to vector<1x32x9xf32>
    %reduce_sum3A_162 = arith.constant dense<0.000000e+00> : vector<1xf32>
    %reduce_sum3A_163 = vector.multi_reduction <add>, %reduce_sum3A_161, %reduce_sum3A_162 [1, 2] : vector<1x32x9xf32> to vector<1xf32>
    %reduce_sum3A_164 = vector.shape_cast %reduce_sum3A_163 : vector<1xf32> to vector<1x1x1xf32>
    %reduce_sum3A_165 = vector.extract %reduce_sum3A_164[0, 0, 0] : f32 from vector<1x1x1xf32>
    %square3A_166 = arith.mulf %div3A_99, %div3A_99 : vector<32x9xf32>
    %mul3A_167 = arith.mulf %mul3A_150, %square3A_166 : vector<32x9xf32>
    %reduce_sum3A_168 = vector.shape_cast %mul3A_167 : vector<32x9xf32> to vector<1x32x9xf32>
    %reduce_sum3A_169 = arith.constant dense<0.000000e+00> : vector<1xf32>
    %reduce_sum3A_170 = vector.multi_reduction <add>, %reduce_sum3A_168, %reduce_sum3A_169 [1, 2] : vector<1x32x9xf32> to vector<1xf32>
    %reduce_sum3A_171 = vector.shape_cast %reduce_sum3A_170 : vector<1xf32> to vector<1x1x1xf32>
    %reduce_sum3A_172 = vector.extract %reduce_sum3A_171[0, 0, 0] : f32 from vector<1x1x1xf32>
    %sub3A_173 = vector.broadcast %slice3A_157 : vector<1x9xf32> to vector<32x9xf32>
    %sub3A_174 = arith.subf %mul3A_74, %sub3A_173 : vector<32x9xf32>
    %square3A_175 = arith.mulf %sub3A_174, %sub3A_174 : vector<32x9xf32>
    %sub3A_176 = vector.broadcast %slice3A_158 : vector<1x9xf32> to vector<32x9xf32>
    %sub3A_177 = arith.subf %mul3A_88, %sub3A_176 : vector<32x9xf32>
    %square3A_178 = arith.mulf %sub3A_177, %sub3A_177 : vector<32x9xf32>
    %add3A_179 = arith.addf %square3A_175, %square3A_178 : vector<32x9xf32>
    %mul3A_180 = arith.mulf %mul3A_150, %add3A_179 : vector<32x9xf32>
    %reduce_sum3A_181 = vector.shape_cast %mul3A_180 : vector<32x9xf32> to vector<1x32x9xf32>
    %reduce_sum3A_182 = arith.constant dense<0.000000e+00> : vector<1xf32>
    %reduce_sum3A_183 = vector.multi_reduction <add>, %reduce_sum3A_181, %reduce_sum3A_182 [1, 2] : vector<1x32x9xf32> to vector<1xf32>
    %reduce_sum3A_184 = vector.shape_cast %reduce_sum3A_183 : vector<1xf32> to vector<1x1x1xf32>
    %reduce_sum3A_185 = vector.extract %reduce_sum3A_184[0, 0, 0] : f32 from vector<1x1x1xf32>
    %sub3A_186 = vector.broadcast %slice3A : vector<32x1xf32> to vector<32x9xf32>
    %sub3A_187 = arith.subf %add3A_47, %sub3A_186 : vector<32x9xf32>
    %square3A_188 = arith.mulf %sub3A_187, %sub3A_187 : vector<32x9xf32>
    %sub3A_189 = vector.broadcast %slice3A_8 : vector<32x1xf32> to vector<32x9xf32>
    %sub3A_190 = arith.subf %add3A_60, %sub3A_189 : vector<32x9xf32>
    %square3A_191 = arith.mulf %sub3A_190, %sub3A_190 : vector<32x9xf32>
    %add3A_192 = arith.addf %square3A_188, %square3A_191 : vector<32x9xf32>
    %sub3A_193 = vector.broadcast %slice3A_9 : vector<32x1xf32> to vector<32x9xf32>
    %sub3A_194 = arith.subf %mul3A_74, %sub3A_193 : vector<32x9xf32>
    %square3A_195 = arith.mulf %sub3A_194, %sub3A_194 : vector<32x9xf32>
    %add3A_196 = arith.addf %add3A_192, %square3A_195 : vector<32x9xf32>
    %sub3A_197 = vector.broadcast %slice3A_10 : vector<32x1xf32> to vector<32x9xf32>
    %sub3A_198 = arith.subf %mul3A_88, %sub3A_197 : vector<32x9xf32>
    %square3A_199 = arith.mulf %sub3A_198, %sub3A_198 : vector<32x9xf32>
    %add3A_200 = arith.addf %add3A_196, %square3A_199 : vector<32x9xf32>
    %mul3A_201 = arith.mulf %mul3A_150, %add3A_200 : vector<32x9xf32>
    %reduce_sum3A_202 = vector.shape_cast %mul3A_201 : vector<32x9xf32> to vector<1x32x9xf32>
    %reduce_sum3A_203 = arith.constant dense<0.000000e+00> : vector<1xf32>
    %reduce_sum3A_204 = vector.multi_reduction <add>, %reduce_sum3A_202, %reduce_sum3A_203 [1, 2] : vector<1x32x9xf32> to vector<1xf32>
    %reduce_sum3A_205 = vector.shape_cast %reduce_sum3A_204 : vector<1xf32> to vector<1x1x1xf32>
    %reduce_sum3A_206 = vector.extract %reduce_sum3A_205[0, 0, 0] : f32 from vector<1x1x1xf32>
    %get3A_207 = arith.constant 0 : index
    %get3A_208 = arith.constant 0 : index
    %get3A_209 = arith.constant 0 : index
    %get3A_210 = arith.constant 0 : index
    %get3A_211 = vector.load %arg7[%get3A_207, %get3A_208, %get3A_209, %get3A_210] : memref<1x32x9x80xf32, #tpu.memory_space<vmem>>, vector<1x32x9x80xf32>
    %get3A_212 = vector.shape_cast %get3A_211 : vector<1x32x9x80xf32> to vector<32x9x80xf32>
    %get3A_213 = arith.constant 0 : index
    %get3A_214 = arith.constant 0 : index
    %get3A_215 = arith.constant 0 : index
    %get3A_216 = vector.load %arg3[%get3A_213, %get3A_214, %get3A_215] : memref<1x32x80xf32, #tpu.memory_space<vmem>>, vector<1x32x80xf32>
    %get3A_217 = vector.shape_cast %get3A_216 : vector<1x32x80xf32> to vector<32x80xf32>
    %broadcast_in_dim3A_218 = vector.shape_cast %get3A_217 : vector<32x80xf32> to vector<32x1x80xf32>
    %mul3A_219 = vector.broadcast %broadcast_in_dim3A_218 : vector<32x1x80xf32> to vector<32x9x80xf32>
    %mul3A_220 = arith.mulf %get3A_212, %mul3A_219 : vector<32x9x80xf32>
    %reduce_sum3A_221 = arith.constant dense<0.000000e+00> : vector<32x9xf32>
    %reduce_sum3A_222 = vector.multi_reduction <add>, %mul3A_220, %reduce_sum3A_221 [2] : vector<32x9x80xf32> to vector<32x9xf32>
    %mul3A_223 = arith.mulf %get3A_217, %get3A_217 : vector<32x80xf32>
    %reduce_sum3A_224 = arith.constant dense<0.000000e+00> : vector<32xf32>
    %reduce_sum3A_225 = vector.multi_reduction <add>, %mul3A_223, %reduce_sum3A_224 [1] : vector<32x80xf32> to vector<32xf32>
    %broadcast_in_dim3A_226 = vector.shape_cast %reduce_sum3A_225 : vector<32xf32> to vector<32x1xf32>
    %slice3A_227 = vector.extract_strided_slice %get3A_212 {offsets = [0, 0, 79], sizes = [32, 9, 1], strides = [1, 1, 1]} : vector<32x9x80xf32> to vector<32x9x1xf32>
    %squeeze3A = vector.shape_cast %slice3A_227 : vector<32x9x1xf32> to vector<32x9xf32>
    %mul3A_228 = arith.constant 2.000000e+00 : f32
    %mul3A_229 = vector.broadcast %mul3A_228 : f32 to vector<32x9xf32>
    %mul3A_230 = arith.mulf %mul3A_229, %reduce_sum3A_222 : vector<32x9xf32>
    %sub3A_231 = vector.broadcast %broadcast_in_dim3A_226 : vector<32x1xf32> to vector<32x9xf32>
    %sub3A_232 = arith.subf %sub3A_231, %mul3A_230 : vector<32x9xf32>
    %sub3A_233 = arith.constant 1.000000e+00 : f32
    %sub3A_234 = vector.broadcast %sub3A_233 : f32 to vector<32x9xf32>
    %sub3A_235 = arith.subf %sub3A_232, %sub3A_234 : vector<32x9xf32>
    %mul3A_236 = arith.constant 2.000000e+00 : f32
    %mul3A_237 = vector.broadcast %mul3A_236 : f32 to vector<32x9xf32>
    %mul3A_238 = arith.mulf %mul3A_237, %squeeze3A : vector<32x9xf32>
    %add3A_239 = arith.addf %sub3A_235, %mul3A_238 : vector<32x9xf32>
    %mul3A_240 = arith.mulf %mul3A_150, %add3A_239 : vector<32x9xf32>
    %reduce_sum3A_241 = vector.shape_cast %mul3A_240 : vector<32x9xf32> to vector<1x32x9xf32>
    %reduce_sum3A_242 = arith.constant dense<0.000000e+00> : vector<1xf32>
    %reduce_sum3A_243 = vector.multi_reduction <add>, %reduce_sum3A_241, %reduce_sum3A_242 [1, 2] : vector<1x32x9xf32> to vector<1xf32>
    %reduce_sum3A_244 = vector.shape_cast %reduce_sum3A_243 : vector<1xf32> to vector<1x1x1xf32>
    %reduce_sum3A_245 = vector.extract %reduce_sum3A_244[0, 0, 0] : f32 from vector<1x1x1xf32>
    %iota3A_246 = tpu.iota {dimensions = array<i32: 0>} : vector<8x128xi32>
    %iota3A_247 = tpu.iota {dimensions = array<i32: 1>} : vector<8x128xi32>
    %get3A_248 = arith.constant 0 : index
    %get3A_249 = arith.constant 0 : index
    %get3A_250 = vector.load %arg10[%get3A_248, %get3A_249] : memref<8x128xf32, #tpu.memory_space<vmem>>, vector<8x128xf32>
    %eq3A_251 = arith.constant 0 : i32
    %eq3A_252 = vector.broadcast %eq3A_251 : i32 to vector<8x128xi32>
    %eq3A_253 = arith.cmpi eq, %iota3A_246, %eq3A_252 : vector<8x128xi32>
    %eq3A_254 = arith.constant 0 : i32
    %eq3A_255 = vector.broadcast %eq3A_254 : i32 to vector<8x128xi32>
    %eq3A_256 = arith.cmpi eq, %iota3A_247, %eq3A_255 : vector<8x128xi32>
    %and3A_257 = arith.andi %eq3A_253, %eq3A_256 : vector<8x128xi1>
    %jit3A_258 = arith.constant 0.000000e+00 : f32
    %broadcast_in_dim3A_259 = vector.broadcast %reduce_sum3A_165 : f32 to vector<8x128xf32>
    %broadcast_in_dim3A_260 = vector.broadcast %jit3A_258 : f32 to vector<8x128xf32>
    %select_n3A_261 = arith.select %and3A_257, %broadcast_in_dim3A_259, %broadcast_in_dim3A_260 : vector<8x128xi1>, vector<8x128xf32>
    %eq3A_262 = arith.constant 0 : i32
    %eq3A_263 = vector.broadcast %eq3A_262 : i32 to vector<8x128xi32>
    %eq3A_264 = arith.cmpi eq, %iota3A_246, %eq3A_263 : vector<8x128xi32>
    %eq3A_265 = arith.constant 1 : i32
    %eq3A_266 = vector.broadcast %eq3A_265 : i32 to vector<8x128xi32>
    %eq3A_267 = arith.cmpi eq, %iota3A_247, %eq3A_266 : vector<8x128xi32>
    %and3A_268 = arith.andi %eq3A_264, %eq3A_267 : vector<8x128xi1>
    %jit3A_269 = arith.constant 0.000000e+00 : f32
    %broadcast_in_dim3A_270 = vector.broadcast %reduce_sum3A_172 : f32 to vector<8x128xf32>
    %broadcast_in_dim3A_271 = vector.broadcast %jit3A_269 : f32 to vector<8x128xf32>
    %select_n3A_272 = arith.select %and3A_268, %broadcast_in_dim3A_270, %broadcast_in_dim3A_271 : vector<8x128xi1>, vector<8x128xf32>
    %add3A_273 = arith.addf %select_n3A_261, %select_n3A_272 : vector<8x128xf32>
    %eq3A_274 = arith.constant 0 : i32
    %eq3A_275 = vector.broadcast %eq3A_274 : i32 to vector<8x128xi32>
    %eq3A_276 = arith.cmpi eq, %iota3A_246, %eq3A_275 : vector<8x128xi32>
    %eq3A_277 = arith.constant 2 : i32
    %eq3A_278 = vector.broadcast %eq3A_277 : i32 to vector<8x128xi32>
    %eq3A_279 = arith.cmpi eq, %iota3A_247, %eq3A_278 : vector<8x128xi32>
    %and3A_280 = arith.andi %eq3A_276, %eq3A_279 : vector<8x128xi1>
    %jit3A_281 = arith.constant 0.000000e+00 : f32
    %broadcast_in_dim3A_282 = vector.broadcast %reduce_sum3A_185 : f32 to vector<8x128xf32>
    %broadcast_in_dim3A_283 = vector.broadcast %jit3A_281 : f32 to vector<8x128xf32>
    %select_n3A_284 = arith.select %and3A_280, %broadcast_in_dim3A_282, %broadcast_in_dim3A_283 : vector<8x128xi1>, vector<8x128xf32>
    %add3A_285 = arith.addf %add3A_273, %select_n3A_284 : vector<8x128xf32>
    %eq3A_286 = arith.constant 0 : i32
    %eq3A_287 = vector.broadcast %eq3A_286 : i32 to vector<8x128xi32>
    %eq3A_288 = arith.cmpi eq, %iota3A_246, %eq3A_287 : vector<8x128xi32>
    %eq3A_289 = arith.constant 3 : i32
    %eq3A_290 = vector.broadcast %eq3A_289 : i32 to vector<8x128xi32>
    %eq3A_291 = arith.cmpi eq, %iota3A_247, %eq3A_290 : vector<8x128xi32>
    %and3A_292 = arith.andi %eq3A_288, %eq3A_291 : vector<8x128xi1>
    %jit3A_293 = arith.constant 0.000000e+00 : f32
    %broadcast_in_dim3A_294 = vector.broadcast %reduce_sum3A_206 : f32 to vector<8x128xf32>
    %broadcast_in_dim3A_295 = vector.broadcast %jit3A_293 : f32 to vector<8x128xf32>
    %select_n3A_296 = arith.select %and3A_292, %broadcast_in_dim3A_294, %broadcast_in_dim3A_295 : vector<8x128xi1>, vector<8x128xf32>
    %add3A_297 = arith.addf %add3A_285, %select_n3A_296 : vector<8x128xf32>
    %eq3A_298 = arith.constant 0 : i32
    %eq3A_299 = vector.broadcast %eq3A_298 : i32 to vector<8x128xi32>
    %eq3A_300 = arith.cmpi eq, %iota3A_246, %eq3A_299 : vector<8x128xi32>
    %eq3A_301 = arith.constant 4 : i32
    %eq3A_302 = vector.broadcast %eq3A_301 : i32 to vector<8x128xi32>
    %eq3A_303 = arith.cmpi eq, %iota3A_247, %eq3A_302 : vector<8x128xi32>
    %and3A_304 = arith.andi %eq3A_300, %eq3A_303 : vector<8x128xi1>
    %jit3A_305 = arith.constant 0.000000e+00 : f32
    %broadcast_in_dim3A_306 = vector.broadcast %reduce_sum3A_245 : f32 to vector<8x128xf32>
    %broadcast_in_dim3A_307 = vector.broadcast %jit3A_305 : f32 to vector<8x128xf32>
    %select_n3A_308 = arith.select %and3A_304, %broadcast_in_dim3A_306, %broadcast_in_dim3A_307 : vector<8x128xi1>, vector<8x128xf32>
    %add3A_309 = arith.addf %add3A_297, %select_n3A_308 : vector<8x128xf32>
    %add3A_310 = arith.addf %get3A_250, %add3A_309 : vector<8x128xf32>
    %swap3A = arith.constant 0 : index
    %swap3A_311 = arith.constant 0 : index
    %swap3A_312 = vector.load %arg10[%swap3A, %swap3A_311] : memref<8x128xf32, #tpu.memory_space<vmem>>, vector<8x128xf32>
    tpu.vector_store %arg10[%swap3A, %swap3A_311], %add3A_310 {strides = array<i32>} : memref<8x128xf32, #tpu.memory_space<vmem>>, vector<8x128xf32>,
    %not3A = arith.constant dense<true> : vector<32x9xi1>
    %not3A_313 = arith.xori %gt3A_114, %not3A : vector<32x9xi1>
    %or3A = arith.ori %not3A_313, %and3A_138 : vector<32x9xi1>
    %iota3A_314 = tpu.iota {dimensions = array<i32: 0>} : vector<32x9xi32>
    %mul3A_315 = arith.constant 9 : i32
    %mul3A_316 = vector.broadcast %mul3A_315 : i32 to vector<32x9xi32>
    %mul3A_317 = arith.muli %iota3A_314, %mul3A_316 : vector<32x9xi32>
    %add3A_318 = arith.addi %mul3A_317, %iota3A_127 : vector<32x9xi32>
    %jit3A_319 = arith.constant -1 : i32
    %broadcast_in_dim3A_320 = vector.broadcast %jit3A_319 : i32 to vector<32x9xi32>
    %select_n3A_321 = arith.select %or3A, %add3A_318, %broadcast_in_dim3A_320 : vector<32x9xi1>, vector<32x9xi32>
    %reduce_max3A = vector.shape_cast %select_n3A_321 : vector<32x9xi32> to vector<1x32x9xi32>
    %reduce_max3A_322 = arith.constant dense<-2147483648> : vector<1xi32>
    %reduce_max3A_323 = vector.multi_reduction <maxsi>, %reduce_max3A, %reduce_max3A_322 [1, 2] : vector<1x32x9xi32> to vector<1xi32>
    %reduce_max3A_324 = vector.shape_cast %reduce_max3A_323 : vector<1xi32> to vector<1x1x1xi32>
    %reduce_max3A_325 = vector.extract %reduce_max3A_324[0, 0, 0] : i32 from vector<1x1x1xi32>
    %ge3A = arith.constant 0 : i32
    %ge3A_326 = arith.cmpi sge, %reduce_max3A_325, %ge3A : i32
    %eq3A_327 = vector.broadcast %reduce_max3A_325 : i32 to vector<32x9xi32>
    %eq3A_328 = arith.cmpi eq, %add3A_318, %eq3A_327 : vector<32x9xi32>
    %and3A_329 = arith.andi %eq3A_328, %or3A : vector<32x9xi1>
    %convert_element_type3A_330 = arith.extui %and3A_329 : vector<32x9xi1> to vector<32x9xi32>
    %convert_element_type3A_331 = arith.sitofp %convert_element_type3A_330 : vector<32x9xi32> to vector<32x9xf32>
    %mul3A_332 = arith.mulf %convert_element_type3A_331, %div3A_112 : vector<32x9xf32>
    %reduce_sum3A_333 = vector.shape_cast %mul3A_332 : vector<32x9xf32> to vector<1x32x9xf32>
    %reduce_sum3A_334 = arith.constant dense<0.000000e+00> : vector<1xf32>
    %reduce_sum3A_335 = vector.multi_reduction <add>, %reduce_sum3A_333, %reduce_sum3A_334 [1, 2] : vector<1x32x9xf32> to vector<1xf32>
    %reduce_sum3A_336 = vector.shape_cast %reduce_sum3A_335 : vector<1xf32> to vector<1x1x1xf32>
    %reduce_sum3A_337 = vector.extract %reduce_sum3A_336[0, 0, 0] : f32 from vector<1x1x1xf32>
    %reduce_sum3A_338 = arith.constant dense<0.000000e+00> : vector<32xf32>
    %reduce_sum3A_339 = vector.multi_reduction <add>, %convert_element_type3A_331, %reduce_sum3A_338 [1] : vector<32x9xf32> to vector<32xf32>
    %broadcast_in_dim3A_340 = vector.shape_cast %reduce_sum3A_339 : vector<32xf32> to vector<32x1xf32>
    %mul3A_341 = arith.mulf %broadcast_in_dim3A_340, %slice3A : vector<32x1xf32>
    %reduce_sum3A_342 = vector.shape_cast %mul3A_341 : vector<32x1xf32> to vector<1x32x1xf32>
    %reduce_sum3A_343 = arith.constant dense<0.000000e+00> : vector<1xf32>
    %reduce_sum3A_344 = vector.multi_reduction <add>, %reduce_sum3A_342, %reduce_sum3A_343 [1, 2] : vector<1x32x1xf32> to vector<1xf32>
    %reduce_sum3A_345 = vector.shape_cast %reduce_sum3A_344 : vector<1xf32> to vector<1x1x1xf32>
    %reduce_sum3A_346 = vector.extract %reduce_sum3A_345[0, 0, 0] : f32 from vector<1x1x1xf32>
    %mul3A_347 = arith.mulf %broadcast_in_dim3A_340, %slice3A_8 : vector<32x1xf32>
    %reduce_sum3A_348 = vector.shape_cast %mul3A_347 : vector<32x1xf32> to vector<1x32x1xf32>
    %reduce_sum3A_349 = arith.constant dense<0.000000e+00> : vector<1xf32>
    %reduce_sum3A_350 = vector.multi_reduction <add>, %reduce_sum3A_348, %reduce_sum3A_349 [1, 2] : vector<1x32x1xf32> to vector<1xf32>
    %reduce_sum3A_351 = vector.shape_cast %reduce_sum3A_350 : vector<1xf32> to vector<1x1x1xf32>
    %reduce_sum3A_352 = vector.extract %reduce_sum3A_351[0, 0, 0] : f32 from vector<1x1x1xf32>
    %mul3A_353 = arith.mulf %broadcast_in_dim3A_340, %slice3A_9 : vector<32x1xf32>
    %reduce_sum3A_354 = vector.shape_cast %mul3A_353 : vector<32x1xf32> to vector<1x32x1xf32>
    %reduce_sum3A_355 = arith.constant dense<0.000000e+00> : vector<1xf32>
    %reduce_sum3A_356 = vector.multi_reduction <add>, %reduce_sum3A_354, %reduce_sum3A_355 [1, 2] : vector<1x32x1xf32> to vector<1xf32>
    %reduce_sum3A_357 = vector.shape_cast %reduce_sum3A_356 : vector<1xf32> to vector<1x1x1xf32>
    %reduce_sum3A_358 = vector.extract %reduce_sum3A_357[0, 0, 0] : f32 from vector<1x1x1xf32>
    %mul3A_359 = arith.mulf %broadcast_in_dim3A_340, %slice3A_10 : vector<32x1xf32>
    %reduce_sum3A_360 = vector.shape_cast %mul3A_359 : vector<32x1xf32> to vector<1x32x1xf32>
    %reduce_sum3A_361 = arith.constant dense<0.000000e+00> : vector<1xf32>
    %reduce_sum3A_362 = vector.multi_reduction <add>, %reduce_sum3A_360, %reduce_sum3A_361 [1, 2] : vector<1x32x1xf32> to vector<1xf32>
    %reduce_sum3A_363 = vector.shape_cast %reduce_sum3A_362 : vector<1xf32> to vector<1x1x1xf32>
    %reduce_sum3A_364 = vector.extract %reduce_sum3A_363[0, 0, 0] : f32 from vector<1x1x1xf32>
    %mul3A_365 = vector.broadcast %broadcast_in_dim3A_340 : vector<32x1xf32> to vector<32x80xf32>
    %mul3A_366 = arith.mulf %mul3A_365, %get3A_217 : vector<32x80xf32>
    %reduce_sum3A_367 = arith.constant dense<0.000000e+00> : vector<80xf32>
    %reduce_sum3A_368 = vector.multi_reduction <add>, %mul3A_366, %reduce_sum3A_367 [0] : vector<32x80xf32> to vector<80xf32>
    %broadcast_in_dim3A_369 = vector.shape_cast %reduce_sum3A_368 : vector<80xf32> to vector<1x80xf32>
    %convert_element_type3A_370 = arith.extui %ge3A_326 : i1 to i32
    %cond3A_371 = arith.constant 0 : i32
    %cond3A_372 = arith.cmpi ne, %convert_element_type3A_370, %cond3A_371 : i32
    scf.if %cond3A_372 {
      %eq3A_378 = arith.constant 0 : i32
      %eq3A_379 = vector.broadcast %eq3A_378 : i32 to vector<8x128xi32>
      %eq3A_380 = arith.cmpi eq, %iota3A_246, %eq3A_379 : vector<8x128xi32>
      %eq3A_381 = arith.constant 0 : i32
      %eq3A_382 = vector.broadcast %eq3A_381 : i32 to vector<8x128xi32>
      %eq3A_383 = arith.cmpi eq, %iota3A_247, %eq3A_382 : vector<8x128xi32>
      %and3A_384 = arith.andi %eq3A_380, %eq3A_383 : vector<8x128xi1>
      %jit3A_385 = arith.constant 1.000000e+00 : f32
      %jit3A_386 = arith.constant 0.000000e+00 : f32
      %broadcast_in_dim3A_387 = vector.broadcast %jit3A_385 : f32 to vector<8x128xf32>
      %broadcast_in_dim3A_388 = vector.broadcast %jit3A_386 : f32 to vector<8x128xf32>
      %select_n3A_389 = arith.select %and3A_384, %broadcast_in_dim3A_387, %broadcast_in_dim3A_388 : vector<8x128xi1>, vector<8x128xf32>
      %eq3A_390 = arith.constant 0 : i32
      %eq3A_391 = vector.broadcast %eq3A_390 : i32 to vector<8x128xi32>
      %eq3A_392 = arith.cmpi eq, %iota3A_246, %eq3A_391 : vector<8x128xi32>
      %eq3A_393 = arith.constant 1 : i32
      %eq3A_394 = vector.broadcast %eq3A_393 : i32 to vector<8x128xi32>
      %eq3A_395 = arith.cmpi eq, %iota3A_247, %eq3A_394 : vector<8x128xi32>
      %and3A_396 = arith.andi %eq3A_392, %eq3A_395 : vector<8x128xi1>
      %jit3A_397 = arith.constant 0.000000e+00 : f32
      %broadcast_in_dim3A_398 = vector.broadcast %reduce_sum3A_337 : f32 to vector<8x128xf32>
      %broadcast_in_dim3A_399 = vector.broadcast %jit3A_397 : f32 to vector<8x128xf32>
      %select_n3A_400 = arith.select %and3A_396, %broadcast_in_dim3A_398, %broadcast_in_dim3A_399 : vector<8x128xi1>, vector<8x128xf32>
      %add3A_401 = arith.addf %select_n3A_389, %select_n3A_400 : vector<8x128xf32>
      %eq3A_402 = arith.constant 0 : i32
      %eq3A_403 = vector.broadcast %eq3A_402 : i32 to vector<8x128xi32>
      %eq3A_404 = arith.cmpi eq, %iota3A_246, %eq3A_403 : vector<8x128xi32>
      %eq3A_405 = arith.constant 2 : i32
      %eq3A_406 = vector.broadcast %eq3A_405 : i32 to vector<8x128xi32>
      %eq3A_407 = arith.cmpi eq, %iota3A_247, %eq3A_406 : vector<8x128xi32>
      %and3A_408 = arith.andi %eq3A_404, %eq3A_407 : vector<8x128xi1>
      %jit3A_409 = arith.constant 0.000000e+00 : f32
      %broadcast_in_dim3A_410 = vector.broadcast %reduce_sum3A_346 : f32 to vector<8x128xf32>
      %broadcast_in_dim3A_411 = vector.broadcast %jit3A_409 : f32 to vector<8x128xf32>
      %select_n3A_412 = arith.select %and3A_408, %broadcast_in_dim3A_410, %broadcast_in_dim3A_411 : vector<8x128xi1>, vector<8x128xf32>
      %add3A_413 = arith.addf %add3A_401, %select_n3A_412 : vector<8x128xf32>
      %eq3A_414 = arith.constant 0 : i32
      %eq3A_415 = vector.broadcast %eq3A_414 : i32 to vector<8x128xi32>
      %eq3A_416 = arith.cmpi eq, %iota3A_246, %eq3A_415 : vector<8x128xi32>
      %eq3A_417 = arith.constant 3 : i32
      %eq3A_418 = vector.broadcast %eq3A_417 : i32 to vector<8x128xi32>
      %eq3A_419 = arith.cmpi eq, %iota3A_247, %eq3A_418 : vector<8x128xi32>
      %and3A_420 = arith.andi %eq3A_416, %eq3A_419 : vector<8x128xi1>
      %jit3A_421 = arith.constant 0.000000e+00 : f32
      %broadcast_in_dim3A_422 = vector.broadcast %reduce_sum3A_352 : f32 to vector<8x128xf32>
      %broadcast_in_dim3A_423 = vector.broadcast %jit3A_421 : f32 to vector<8x128xf32>
      %select_n3A_424 = arith.select %and3A_420, %broadcast_in_dim3A_422, %broadcast_in_dim3A_423 : vector<8x128xi1>, vector<8x128xf32>
      %add3A_425 = arith.addf %add3A_413, %select_n3A_424 : vector<8x128xf32>
      %eq3A_426 = arith.constant 0 : i32
      %eq3A_427 = vector.broadcast %eq3A_426 : i32 to vector<8x128xi32>
      %eq3A_428 = arith.cmpi eq, %iota3A_246, %eq3A_427 : vector<8x128xi32>
      %eq3A_429 = arith.constant 4 : i32
      %eq3A_430 = vector.broadcast %eq3A_429 : i32 to vector<8x128xi32>
      %eq3A_431 = arith.cmpi eq, %iota3A_247, %eq3A_430 : vector<8x128xi32>
      %and3A_432 = arith.andi %eq3A_428, %eq3A_431 : vector<8x128xi1>
      %jit3A_433 = arith.constant 0.000000e+00 : f32
      %broadcast_in_dim3A_434 = vector.broadcast %reduce_sum3A_358 : f32 to vector<8x128xf32>
      %broadcast_in_dim3A_435 = vector.broadcast %jit3A_433 : f32 to vector<8x128xf32>
      %select_n3A_436 = arith.select %and3A_432, %broadcast_in_dim3A_434, %broadcast_in_dim3A_435 : vector<8x128xi1>, vector<8x128xf32>
      %add3A_437 = arith.addf %add3A_425, %select_n3A_436 : vector<8x128xf32>
      %eq3A_438 = arith.constant 0 : i32
      %eq3A_439 = vector.broadcast %eq3A_438 : i32 to vector<8x128xi32>
      %eq3A_440 = arith.cmpi eq, %iota3A_246, %eq3A_439 : vector<8x128xi32>
      %eq3A_441 = arith.constant 5 : i32
      %eq3A_442 = vector.broadcast %eq3A_441 : i32 to vector<8x128xi32>
      %eq3A_443 = arith.cmpi eq, %iota3A_247, %eq3A_442 : vector<8x128xi32>
      %and3A_444 = arith.andi %eq3A_440, %eq3A_443 : vector<8x128xi1>
      %jit3A_445 = arith.constant 0.000000e+00 : f32
      %broadcast_in_dim3A_446 = vector.broadcast %reduce_sum3A_364 : f32 to vector<8x128xf32>
      %broadcast_in_dim3A_447 = vector.broadcast %jit3A_445 : f32 to vector<8x128xf32>
      %select_n3A_448 = arith.select %and3A_444, %broadcast_in_dim3A_446, %broadcast_in_dim3A_447 : vector<8x128xi1>, vector<8x128xf32>
      %add3A_449 = arith.addf %add3A_437, %select_n3A_448 : vector<8x128xf32>
      %swap3A_450 = arith.constant 0 : index
      %swap3A_451 = arith.constant 0 : index
      %swap3A_452 = vector.load %arg11[%swap3A_450, %swap3A_451] : memref<8x128xf32, #tpu.memory_space<vmem>>, vector<8x128xf32>
      tpu.vector_store %arg11[%swap3A_450, %swap3A_451], %add3A_449 {strides = array<i32>} : memref<8x128xf32, #tpu.memory_space<vmem>>, vector<8x128xf32>,
      %swap3A_453 = arith.constant 0 : index
      %swap3A_454 = arith.constant 0 : index
      %swap3A_455 = vector.load %arg12[%swap3A_453, %swap3A_454] : memref<8x80xf32, #tpu.memory_space<vmem>>, vector<1x80xf32>
      tpu.vector_store %arg12[%swap3A_453, %swap3A_454], %broadcast_in_dim3A_369 {strides = array<i32>} : memref<8x80xf32, #tpu.memory_space<vmem>>, vector<1x80xf32>,
    } else {
    }
    %eq3A_373 = arith.constant 15 : i32
    %eq3A_374 = arith.cmpi eq, %arg0, %eq3A_373 : i32
    %convert_element_type3A_375 = arith.extui %eq3A_374 : i1 to i32
    %cond3A_376 = arith.constant 0 : i32
    %cond3A_377 = arith.cmpi ne, %convert_element_type3A_375, %cond3A_376 : i32
    scf.if %cond3A_377 {
      %get3A_378 = arith.constant 0 : index
      %get3A_379 = arith.constant 0 : index
      %get3A_380 = vector.load %arg11[%get3A_378, %get3A_379] : memref<8x128xf32, #tpu.memory_space<vmem>>, vector<1x128xf32>
      %iota3A_381 = tpu.iota {dimensions = array<i32: 1>} : vector<1x128xi32>
      %eq3A_382 = arith.constant 0 : i32
      %eq3A_383 = vector.broadcast %eq3A_382 : i32 to vector<1x128xi32>
      %eq3A_384 = arith.cmpi eq, %iota3A_381, %eq3A_383 : vector<1x128xi32>
      %jit3A_385 = arith.constant 0.000000e+00 : f32
      %broadcast_in_dim3A_386 = vector.broadcast %jit3A_385 : f32 to vector<1x128xf32>
      %select_n3A_387 = arith.select %eq3A_384, %get3A_380, %broadcast_in_dim3A_386 : vector<1x128xi1>, vector<1x128xf32>
      %reduce_sum3A_388 = vector.shape_cast %select_n3A_387 : vector<1x128xf32> to vector<1x1x128xf32>
      %reduce_sum3A_389 = arith.constant dense<0.000000e+00> : vector<1xf32>
      %reduce_sum3A_390 = vector.multi_reduction <add>, %reduce_sum3A_388, %reduce_sum3A_389 [1, 2] : vector<1x1x128xf32> to vector<1xf32>
      %reduce_sum3A_391 = vector.shape_cast %reduce_sum3A_390 : vector<1xf32> to vector<1x1x1xf32>
      %reduce_sum3A_392 = vector.extract %reduce_sum3A_391[0, 0, 0] : f32 from vector<1x1x1xf32>
      %iota3A_393 = tpu.iota {dimensions = array<i32: 1>} : vector<1x128xi32>
      %eq3A_394 = arith.constant 1 : i32
      %eq3A_395 = vector.broadcast %eq3A_394 : i32 to vector<1x128xi32>
      %eq3A_396 = arith.cmpi eq, %iota3A_393, %eq3A_395 : vector<1x128xi32>
      %jit3A_397 = arith.constant 0.000000e+00 : f32
      %broadcast_in_dim3A_398 = vector.broadcast %jit3A_397 : f32 to vector<1x128xf32>
      %select_n3A_399 = arith.select %eq3A_396, %get3A_380, %broadcast_in_dim3A_398 : vector<1x128xi1>, vector<1x128xf32>
      %reduce_sum3A_400 = vector.shape_cast %select_n3A_399 : vector<1x128xf32> to vector<1x1x128xf32>
      %reduce_sum3A_401 = arith.constant dense<0.000000e+00> : vector<1xf32>
      %reduce_sum3A_402 = vector.multi_reduction <add>, %reduce_sum3A_400, %reduce_sum3A_401 [1, 2] : vector<1x1x128xf32> to vector<1xf32>
      %reduce_sum3A_403 = vector.shape_cast %reduce_sum3A_402 : vector<1xf32> to vector<1x1x1xf32>
      %reduce_sum3A_404 = vector.extract %reduce_sum3A_403[0, 0, 0] : f32 from vector<1x1x1xf32>
      %iota3A_405 = tpu.iota {dimensions = array<i32: 1>} : vector<1x128xi32>
      %eq3A_406 = arith.constant 2 : i32
      %eq3A_407 = vector.broadcast %eq3A_406 : i32 to vector<1x128xi32>
      %eq3A_408 = arith.cmpi eq, %iota3A_405, %eq3A_407 : vector<1x128xi32>
      %jit3A_409 = arith.constant 0.000000e+00 : f32
      %broadcast_in_dim3A_410 = vector.broadcast %jit3A_409 : f32 to vector<1x128xf32>
      %select_n3A_411 = arith.select %eq3A_408, %get3A_380, %broadcast_in_dim3A_410 : vector<1x128xi1>, vector<1x128xf32>
      %reduce_sum3A_412 = vector.shape_cast %select_n3A_411 : vector<1x128xf32> to vector<1x1x128xf32>
      %reduce_sum3A_413 = arith.constant dense<0.000000e+00> : vector<1xf32>
      %reduce_sum3A_414 = vector.multi_reduction <add>, %reduce_sum3A_412, %reduce_sum3A_413 [1, 2] : vector<1x1x128xf32> to vector<1xf32>
      %reduce_sum3A_415 = vector.shape_cast %reduce_sum3A_414 : vector<1xf32> to vector<1x1x1xf32>
      %reduce_sum3A_416 = vector.extract %reduce_sum3A_415[0, 0, 0] : f32 from vector<1x1x1xf32>
      %iota3A_417 = tpu.iota {dimensions = array<i32: 1>} : vector<1x128xi32>
      %eq3A_418 = arith.constant 3 : i32
      %eq3A_419 = vector.broadcast %eq3A_418 : i32 to vector<1x128xi32>
      %eq3A_420 = arith.cmpi eq, %iota3A_417, %eq3A_419 : vector<1x128xi32>
      %jit3A_421 = arith.constant 0.000000e+00 : f32
      %broadcast_in_dim3A_422 = vector.broadcast %jit3A_421 : f32 to vector<1x128xf32>
      %select_n3A_423 = arith.select %eq3A_420, %get3A_380, %broadcast_in_dim3A_422 : vector<1x128xi1>, vector<1x128xf32>
      %reduce_sum3A_424 = vector.shape_cast %select_n3A_423 : vector<1x128xf32> to vector<1x1x128xf32>
      %reduce_sum3A_425 = arith.constant dense<0.000000e+00> : vector<1xf32>
      %reduce_sum3A_426 = vector.multi_reduction <add>, %reduce_sum3A_424, %reduce_sum3A_425 [1, 2] : vector<1x1x128xf32> to vector<1xf32>
      %reduce_sum3A_427 = vector.shape_cast %reduce_sum3A_426 : vector<1xf32> to vector<1x1x1xf32>
      %reduce_sum3A_428 = vector.extract %reduce_sum3A_427[0, 0, 0] : f32 from vector<1x1x1xf32>
      %iota3A_429 = tpu.iota {dimensions = array<i32: 1>} : vector<1x128xi32>
      %eq3A_430 = arith.constant 4 : i32
      %eq3A_431 = vector.broadcast %eq3A_430 : i32 to vector<1x128xi32>
      %eq3A_432 = arith.cmpi eq, %iota3A_429, %eq3A_431 : vector<1x128xi32>
      %jit3A_433 = arith.constant 0.000000e+00 : f32
      %broadcast_in_dim3A_434 = vector.broadcast %jit3A_433 : f32 to vector<1x128xf32>
      %select_n3A_435 = arith.select %eq3A_432, %get3A_380, %broadcast_in_dim3A_434 : vector<1x128xi1>, vector<1x128xf32>
      %reduce_sum3A_436 = vector.shape_cast %select_n3A_435 : vector<1x128xf32> to vector<1x1x128xf32>
      %reduce_sum3A_437 = arith.constant dense<0.000000e+00> : vector<1xf32>
      %reduce_sum3A_438 = vector.multi_reduction <add>, %reduce_sum3A_436, %reduce_sum3A_437 [1, 2] : vector<1x1x128xf32> to vector<1xf32>
      %reduce_sum3A_439 = vector.shape_cast %reduce_sum3A_438 : vector<1xf32> to vector<1x1x1xf32>
      %reduce_sum3A_440 = vector.extract %reduce_sum3A_439[0, 0, 0] : f32 from vector<1x1x1xf32>
      %iota3A_441 = tpu.iota {dimensions = array<i32: 1>} : vector<1x128xi32>
      %eq3A_442 = arith.constant 5 : i32
      %eq3A_443 = vector.broadcast %eq3A_442 : i32 to vector<1x128xi32>
      %eq3A_444 = arith.cmpi eq, %iota3A_441, %eq3A_443 : vector<1x128xi32>
      %jit3A_445 = arith.constant 0.000000e+00 : f32
      %broadcast_in_dim3A_446 = vector.broadcast %jit3A_445 : f32 to vector<1x128xf32>
      %select_n3A_447 = arith.select %eq3A_444, %get3A_380, %broadcast_in_dim3A_446 : vector<1x128xi1>, vector<1x128xf32>
      %reduce_sum3A_448 = vector.shape_cast %select_n3A_447 : vector<1x128xf32> to vector<1x1x128xf32>
      %reduce_sum3A_449 = arith.constant dense<0.000000e+00> : vector<1xf32>
      %reduce_sum3A_450 = vector.multi_reduction <add>, %reduce_sum3A_448, %reduce_sum3A_449 [1, 2] : vector<1x1x128xf32> to vector<1xf32>
      %reduce_sum3A_451 = vector.shape_cast %reduce_sum3A_450 : vector<1xf32> to vector<1x1x1xf32>
      %reduce_sum3A_452 = vector.extract %reduce_sum3A_451[0, 0, 0] : f32 from vector<1x1x1xf32>
      %get3A_453 = arith.constant 0 : index
      %get3A_454 = arith.constant 0 : index
      %get3A_455 = vector.load %arg12[%get3A_453, %get3A_454] : memref<8x80xf32, #tpu.memory_space<vmem>>, vector<1x80xf32>
      %get3A_456 = arith.constant 0 : index
      %get3A_457 = arith.constant 0 : index
      %get3A_458 = arith.constant 0 : index
      %get3A_459 = vector.load %arg2[%get3A_456, %get3A_457, %get3A_458] : memref<1x45x52xf32, #tpu.memory_space<vmem>>, vector<1x45x52xf32>
      %get3A_460 = vector.shape_cast %get3A_459 : vector<1x45x52xf32> to vector<45x52xf32>
      %iota3A_461 = tpu.iota {dimensions = array<i32: 0>} : vector<45x52xi32>
      %iota3A_462 = tpu.iota {dimensions = array<i32: 1>} : vector<45x52xi32>
      %eq3A_463 = arith.constant 40 : i32
      %eq3A_464 = vector.broadcast %eq3A_463 : i32 to vector<45x52xi32>
      %eq3A_465 = arith.cmpi eq, %iota3A_461, %eq3A_464 : vector<45x52xi32>
      %eq3A_466 = arith.constant 51 : i32
      %eq3A_467 = vector.broadcast %eq3A_466 : i32 to vector<45x52xi32>
      %eq3A_468 = arith.cmpi eq, %iota3A_462, %eq3A_467 : vector<45x52xi32>
      %and3A_469 = arith.andi %eq3A_465, %eq3A_468 : vector<45x52xi1>
      %jit3A_470 = arith.constant 0.000000e+00 : f32
      %broadcast_in_dim3A_471 = vector.broadcast %jit3A_470 : f32 to vector<45x52xf32>
      %select_n3A_472 = arith.select %and3A_469, %get3A_460, %broadcast_in_dim3A_471 : vector<45x52xi1>, vector<45x52xf32>
      %reduce_sum3A_473 = vector.shape_cast %select_n3A_472 : vector<45x52xf32> to vector<1x45x52xf32>
      %reduce_sum3A_474 = arith.constant dense<0.000000e+00> : vector<1xf32>
      %reduce_sum3A_475 = vector.multi_reduction <add>, %reduce_sum3A_473, %reduce_sum3A_474 [1, 2] : vector<1x45x52xf32> to vector<1xf32>
      %reduce_sum3A_476 = vector.shape_cast %reduce_sum3A_475 : vector<1xf32> to vector<1x1x1xf32>
      %reduce_sum3A_477 = vector.extract %reduce_sum3A_476[0, 0, 0] : f32 from vector<1x1x1xf32>
      %neg3A_478 = arith.constant 0.000000e+00 : f32
      %neg3A_479 = arith.subf %neg3A_478, %reduce_sum3A_477 : f32
      %exp3A_480 = math.exp %neg3A_479 : f32
      %add3A_481 = arith.constant 1.000000e+00 : f32
      %add3A_482 = arith.addf %add3A_481, %exp3A_480 : f32
      %div3A_483 = arith.constant 1.000000e+00 : f32
      %div3A_484 = arith.divf %div3A_483, %add3A_482 : f32
      %add3A_485 = arith.constant 5.100000e+01 : f32
      %add3A_486 = arith.addf %div3A_484, %add3A_485 : f32
      %iota3A_487 = tpu.iota {dimensions = array<i32: 0>} : vector<45x52xi32>
      %iota3A_488 = tpu.iota {dimensions = array<i32: 1>} : vector<45x52xi32>
      %eq3A_489 = arith.constant 41 : i32
      %eq3A_490 = vector.broadcast %eq3A_489 : i32 to vector<45x52xi32>
      %eq3A_491 = arith.cmpi eq, %iota3A_487, %eq3A_490 : vector<45x52xi32>
      %eq3A_492 = arith.constant 51 : i32
      %eq3A_493 = vector.broadcast %eq3A_492 : i32 to vector<45x52xi32>
      %eq3A_494 = arith.cmpi eq, %iota3A_488, %eq3A_493 : vector<45x52xi32>
      %and3A_495 = arith.andi %eq3A_491, %eq3A_494 : vector<45x52xi1>
      %jit3A_496 = arith.constant 0.000000e+00 : f32
      %broadcast_in_dim3A_497 = vector.broadcast %jit3A_496 : f32 to vector<45x52xf32>
      %select_n3A_498 = arith.select %and3A_495, %get3A_460, %broadcast_in_dim3A_497 : vector<45x52xi1>, vector<45x52xf32>
      %reduce_sum3A_499 = vector.shape_cast %select_n3A_498 : vector<45x52xf32> to vector<1x45x52xf32>
      %reduce_sum3A_500 = arith.constant dense<0.000000e+00> : vector<1xf32>
      %reduce_sum3A_501 = vector.multi_reduction <add>, %reduce_sum3A_499, %reduce_sum3A_500 [1, 2] : vector<1x45x52xf32> to vector<1xf32>
      %reduce_sum3A_502 = vector.shape_cast %reduce_sum3A_501 : vector<1xf32> to vector<1x1x1xf32>
      %reduce_sum3A_503 = vector.extract %reduce_sum3A_502[0, 0, 0] : f32 from vector<1x1x1xf32>
      %neg3A_504 = arith.constant 0.000000e+00 : f32
      %neg3A_505 = arith.subf %neg3A_504, %reduce_sum3A_503 : f32
      %exp3A_506 = math.exp %neg3A_505 : f32
      %add3A_507 = arith.constant 1.000000e+00 : f32
      %add3A_508 = arith.addf %add3A_507, %exp3A_506 : f32
      %div3A_509 = arith.constant 1.000000e+00 : f32
      %div3A_510 = arith.divf %div3A_509, %add3A_508 : f32
      %add3A_511 = arith.constant 5.100000e+01 : f32
      %add3A_512 = arith.addf %div3A_510, %add3A_511 : f32
      %iota3A_513 = tpu.iota {dimensions = array<i32: 0>} : vector<45x52xi32>
      %iota3A_514 = tpu.iota {dimensions = array<i32: 1>} : vector<45x52xi32>
      %eq3A_515 = arith.constant 42 : i32
      %eq3A_516 = vector.broadcast %eq3A_515 : i32 to vector<45x52xi32>
      %eq3A_517 = arith.cmpi eq, %iota3A_513, %eq3A_516 : vector<45x52xi32>
      %eq3A_518 = arith.constant 51 : i32
      %eq3A_519 = vector.broadcast %eq3A_518 : i32 to vector<45x52xi32>
      %eq3A_520 = arith.cmpi eq, %iota3A_514, %eq3A_519 : vector<45x52xi32>
      %and3A_521 = arith.andi %eq3A_517, %eq3A_520 : vector<45x52xi1>
      %jit3A_522 = arith.constant 0.000000e+00 : f32
      %broadcast_in_dim3A_523 = vector.broadcast %jit3A_522 : f32 to vector<45x52xf32>
      %select_n3A_524 = arith.select %and3A_521, %get3A_460, %broadcast_in_dim3A_523 : vector<45x52xi1>, vector<45x52xf32>
      %reduce_sum3A_525 = vector.shape_cast %select_n3A_524 : vector<45x52xf32> to vector<1x45x52xf32>
      %reduce_sum3A_526 = arith.constant dense<0.000000e+00> : vector<1xf32>
      %reduce_sum3A_527 = vector.multi_reduction <add>, %reduce_sum3A_525, %reduce_sum3A_526 [1, 2] : vector<1x45x52xf32> to vector<1xf32>
      %reduce_sum3A_528 = vector.shape_cast %reduce_sum3A_527 : vector<1xf32> to vector<1x1x1xf32>
      %reduce_sum3A_529 = vector.extract %reduce_sum3A_528[0, 0, 0] : f32 from vector<1x1x1xf32>
      %neg3A_530 = arith.constant 0.000000e+00 : f32
      %neg3A_531 = arith.subf %neg3A_530, %reduce_sum3A_529 : f32
      %exp3A_532 = math.exp %neg3A_531 : f32
      %add3A_533 = arith.constant 1.000000e+00 : f32
      %add3A_534 = arith.addf %add3A_533, %exp3A_532 : f32
      %div3A_535 = arith.constant 1.000000e+00 : f32
      %div3A_536 = arith.divf %div3A_535, %add3A_534 : f32
      %mul3A_537 = arith.constant 5.200000e+01 : f32
      %mul3A_538 = arith.mulf %div3A_536, %mul3A_537 : f32
      %iota3A_539 = tpu.iota {dimensions = array<i32: 0>} : vector<45x52xi32>
      %iota3A_540 = tpu.iota {dimensions = array<i32: 1>} : vector<45x52xi32>
      %eq3A_541 = arith.constant 43 : i32
      %eq3A_542 = vector.broadcast %eq3A_541 : i32 to vector<45x52xi32>
      %eq3A_543 = arith.cmpi eq, %iota3A_539, %eq3A_542 : vector<45x52xi32>
      %eq3A_544 = arith.constant 51 : i32
      %eq3A_545 = vector.broadcast %eq3A_544 : i32 to vector<45x52xi32>
      %eq3A_546 = arith.cmpi eq, %iota3A_540, %eq3A_545 : vector<45x52xi32>
      %and3A_547 = arith.andi %eq3A_543, %eq3A_546 : vector<45x52xi1>
      %jit3A_548 = arith.constant 0.000000e+00 : f32
      %broadcast_in_dim3A_549 = vector.broadcast %jit3A_548 : f32 to vector<45x52xf32>
      %select_n3A_550 = arith.select %and3A_547, %get3A_460, %broadcast_in_dim3A_549 : vector<45x52xi1>, vector<45x52xf32>
      %reduce_sum3A_551 = vector.shape_cast %select_n3A_550 : vector<45x52xf32> to vector<1x45x52xf32>
      %reduce_sum3A_552 = arith.constant dense<0.000000e+00> : vector<1xf32>
      %reduce_sum3A_553 = vector.multi_reduction <add>, %reduce_sum3A_551, %reduce_sum3A_552 [1, 2] : vector<1x45x52xf32> to vector<1xf32>
      %reduce_sum3A_554 = vector.shape_cast %reduce_sum3A_553 : vector<1xf32> to vector<1x1x1xf32>
      %reduce_sum3A_555 = vector.extract %reduce_sum3A_554[0, 0, 0] : f32 from vector<1x1x1xf32>
      %neg3A_556 = arith.constant 0.000000e+00 : f32
      %neg3A_557 = arith.subf %neg3A_556, %reduce_sum3A_555 : f32
      %exp3A_558 = math.exp %neg3A_557 : f32
      %add3A_559 = arith.constant 1.000000e+00 : f32
      %add3A_560 = arith.addf %add3A_559, %exp3A_558 : f32
      %div3A_561 = arith.constant 1.000000e+00 : f32
      %div3A_562 = arith.divf %div3A_561, %add3A_560 : f32
      %mul3A_563 = arith.constant 5.200000e+01 : f32
      %mul3A_564 = arith.mulf %div3A_562, %mul3A_563 : f32
      %iota3A_565 = tpu.iota {dimensions = array<i32: 0>} : vector<45x52xi32>
      %iota3A_566 = tpu.iota {dimensions = array<i32: 1>} : vector<45x52xi32>
      %eq3A_567 = arith.constant 44 : i32
      %eq3A_568 = vector.broadcast %eq3A_567 : i32 to vector<45x52xi32>
      %eq3A_569 = arith.cmpi eq, %iota3A_565, %eq3A_568 : vector<45x52xi32>
      %eq3A_570 = arith.constant 51 : i32
      %eq3A_571 = vector.broadcast %eq3A_570 : i32 to vector<45x52xi32>
      %eq3A_572 = arith.cmpi eq, %iota3A_566, %eq3A_571 : vector<45x52xi32>
      %and3A_573 = arith.andi %eq3A_569, %eq3A_572 : vector<45x52xi1>
      %jit3A_574 = arith.constant 0.000000e+00 : f32
      %broadcast_in_dim3A_575 = vector.broadcast %jit3A_574 : f32 to vector<45x52xf32>
      %select_n3A_576 = arith.select %and3A_573, %get3A_460, %broadcast_in_dim3A_575 : vector<45x52xi1>, vector<45x52xf32>
      %reduce_sum3A_577 = vector.shape_cast %select_n3A_576 : vector<45x52xf32> to vector<1x45x52xf32>
      %reduce_sum3A_578 = arith.constant dense<0.000000e+00> : vector<1xf32>
      %reduce_sum3A_579 = vector.multi_reduction <add>, %reduce_sum3A_577, %reduce_sum3A_578 [1, 2] : vector<1x45x52xf32> to vector<1xf32>
      %reduce_sum3A_580 = vector.shape_cast %reduce_sum3A_579 : vector<1xf32> to vector<1x1x1xf32>
      %reduce_sum3A_581 = vector.extract %reduce_sum3A_580[0, 0, 0] : f32 from vector<1x1x1xf32>
      %neg3A_582 = arith.constant 0.000000e+00 : f32
      %neg3A_583 = arith.subf %neg3A_582, %reduce_sum3A_581 : f32
      %exp3A_584 = math.exp %neg3A_583 : f32
      %add3A_585 = arith.constant 1.000000e+00 : f32
      %add3A_586 = arith.addf %add3A_585, %exp3A_584 : f32
      %div3A_587 = arith.constant 1.000000e+00 : f32
      %div3A_588 = arith.divf %div3A_587, %add3A_586 : f32
      %slice3A_589 = vector.extract_strided_slice %mul3A_156 {offsets = [0, 0], sizes = [1, 9], strides = [1, 1]} : vector<2x9xf32> to vector<1x9xf32>
      %iota3A_590 = tpu.iota {dimensions = array<i32: 1>} : vector<1x9xi32>
      %eq3A_591 = arith.constant 8 : i32
      %eq3A_592 = vector.broadcast %eq3A_591 : i32 to vector<1x9xi32>
      %eq3A_593 = arith.cmpi eq, %iota3A_590, %eq3A_592 : vector<1x9xi32>
      %jit3A_594 = arith.constant 0.000000e+00 : f32
      %broadcast_in_dim3A_595 = vector.broadcast %jit3A_594 : f32 to vector<1x9xf32>
      %select_n3A_596 = arith.select %eq3A_593, %slice3A_589, %broadcast_in_dim3A_595 : vector<1x9xi1>, vector<1x9xf32>
      %reduce_sum3A_597 = vector.shape_cast %select_n3A_596 : vector<1x9xf32> to vector<1x1x9xf32>
      %reduce_sum3A_598 = arith.constant dense<0.000000e+00> : vector<1xf32>
      %reduce_sum3A_599 = vector.multi_reduction <add>, %reduce_sum3A_597, %reduce_sum3A_598 [1, 2] : vector<1x1x9xf32> to vector<1xf32>
      %reduce_sum3A_600 = vector.shape_cast %reduce_sum3A_599 : vector<1xf32> to vector<1x1x1xf32>
      %reduce_sum3A_601 = vector.extract %reduce_sum3A_600[0, 0, 0] : f32 from vector<1x1x1xf32>
      %slice3A_602 = vector.extract_strided_slice %mul3A_156 {offsets = [1, 0], sizes = [1, 9], strides = [1, 1]} : vector<2x9xf32> to vector<1x9xf32>
      %iota3A_603 = tpu.iota {dimensions = array<i32: 1>} : vector<1x9xi32>
      %eq3A_604 = arith.constant 8 : i32
      %eq3A_605 = vector.broadcast %eq3A_604 : i32 to vector<1x9xi32>
      %eq3A_606 = arith.cmpi eq, %iota3A_603, %eq3A_605 : vector<1x9xi32>
      %jit3A_607 = arith.constant 0.000000e+00 : f32
      %broadcast_in_dim3A_608 = vector.broadcast %jit3A_607 : f32 to vector<1x9xf32>
      %select_n3A_609 = arith.select %eq3A_606, %slice3A_602, %broadcast_in_dim3A_608 : vector<1x9xi1>, vector<1x9xf32>
      %reduce_sum3A_610 = vector.shape_cast %select_n3A_609 : vector<1x9xf32> to vector<1x1x9xf32>
      %reduce_sum3A_611 = arith.constant dense<0.000000e+00> : vector<1xf32>
      %reduce_sum3A_612 = vector.multi_reduction <add>, %reduce_sum3A_610, %reduce_sum3A_611 [1, 2] : vector<1x1x9xf32> to vector<1xf32>
      %reduce_sum3A_613 = vector.shape_cast %reduce_sum3A_612 : vector<1xf32> to vector<1x1x1xf32>
      %reduce_sum3A_614 = vector.extract %reduce_sum3A_613[0, 0, 0] : f32 from vector<1x1x1xf32>
      %get3A_615 = arith.constant 0 : index
      %get3A_616 = arith.constant 0 : index
      %get3A_617 = vector.load %arg8[%get3A_615, %get3A_616] : memref<1x80xf32, #tpu.memory_space<vmem>>, vector<1x80xf32>
      %sub3A_618 = arith.subf %div3A_588, %reduce_sum3A_404 : f32
      %square3A_619 = arith.mulf %sub3A_618, %sub3A_618 : f32
      %square3A_620 = arith.mulf %div3A_588, %div3A_588 : f32
      %sub3A_621 = arith.subf %mul3A_538, %reduce_sum3A_601 : f32
      %square3A_622 = arith.mulf %sub3A_621, %sub3A_621 : f32
      %sub3A_623 = arith.subf %mul3A_564, %reduce_sum3A_614 : f32
      %square3A_624 = arith.mulf %sub3A_623, %sub3A_623 : f32
      %add3A_625 = arith.addf %square3A_622, %square3A_624 : f32
      %sub3A_626 = arith.subf %add3A_486, %reduce_sum3A_416 : f32
      %square3A_627 = arith.mulf %sub3A_626, %sub3A_626 : f32
      %sub3A_628 = arith.subf %add3A_512, %reduce_sum3A_428 : f32
      %square3A_629 = arith.mulf %sub3A_628, %sub3A_628 : f32
      %add3A_630 = arith.addf %square3A_627, %square3A_629 : f32
      %sub3A_631 = arith.subf %mul3A_538, %reduce_sum3A_440 : f32
      %square3A_632 = arith.mulf %sub3A_631, %sub3A_631 : f32
      %add3A_633 = arith.addf %add3A_630, %square3A_632 : f32
      %sub3A_634 = arith.subf %mul3A_564, %reduce_sum3A_452 : f32
      %square3A_635 = arith.mulf %sub3A_634, %sub3A_634 : f32
      %add3A_636 = arith.addf %add3A_633, %square3A_635 : f32
      %mul3A_637 = arith.mulf %get3A_455, %get3A_455 : vector<1x80xf32>
      %reduce_sum3A_638 = vector.shape_cast %mul3A_637 : vector<1x80xf32> to vector<1x1x80xf32>
      %reduce_sum3A_639 = arith.constant dense<0.000000e+00> : vector<1xf32>
      %reduce_sum3A_640 = vector.multi_reduction <add>, %reduce_sum3A_638, %reduce_sum3A_639 [1, 2] : vector<1x1x80xf32> to vector<1xf32>
      %reduce_sum3A_641 = vector.shape_cast %reduce_sum3A_640 : vector<1xf32> to vector<1x1x1xf32>
      %reduce_sum3A_642 = vector.extract %reduce_sum3A_641[0, 0, 0] : f32 from vector<1x1x1xf32>
      %mul3A_643 = arith.mulf %get3A_617, %get3A_455 : vector<1x80xf32>
      %reduce_sum3A_644 = vector.shape_cast %mul3A_643 : vector<1x80xf32> to vector<1x1x80xf32>
      %reduce_sum3A_645 = arith.constant dense<0.000000e+00> : vector<1xf32>
      %reduce_sum3A_646 = vector.multi_reduction <add>, %reduce_sum3A_644, %reduce_sum3A_645 [1, 2] : vector<1x1x80xf32> to vector<1xf32>
      %reduce_sum3A_647 = vector.shape_cast %reduce_sum3A_646 : vector<1xf32> to vector<1x1x1xf32>
      %reduce_sum3A_648 = vector.extract %reduce_sum3A_647[0, 0, 0] : f32 from vector<1x1x1xf32>
      %mul3A_649 = arith.constant 2.000000e+00 : f32
      %mul3A_650 = arith.mulf %mul3A_649, %reduce_sum3A_648 : f32
      %sub3A_651 = arith.subf %reduce_sum3A_642, %mul3A_650 : f32
      %sub3A_652 = arith.constant 1.000000e+00 : f32
      %sub3A_653 = arith.subf %sub3A_651, %sub3A_652 : f32
      %iota3A_654 = tpu.iota {dimensions = array<i32: 1>} : vector<1x80xi32>
      %eq3A_655 = arith.constant 79 : i32
      %eq3A_656 = vector.broadcast %eq3A_655 : i32 to vector<1x80xi32>
      %eq3A_657 = arith.cmpi eq, %iota3A_654, %eq3A_656 : vector<1x80xi32>
      %jit3A_658 = arith.constant 0.000000e+00 : f32
      %broadcast_in_dim3A_659 = vector.broadcast %jit3A_658 : f32 to vector<1x80xf32>
      %select_n3A_660 = arith.select %eq3A_657, %get3A_617, %broadcast_in_dim3A_659 : vector<1x80xi1>, vector<1x80xf32>
      %reduce_sum3A_661 = vector.shape_cast %select_n3A_660 : vector<1x80xf32> to vector<1x1x80xf32>
      %reduce_sum3A_662 = arith.constant dense<0.000000e+00> : vector<1xf32>
      %reduce_sum3A_663 = vector.multi_reduction <add>, %reduce_sum3A_661, %reduce_sum3A_662 [1, 2] : vector<1x1x80xf32> to vector<1xf32>
      %reduce_sum3A_664 = vector.shape_cast %reduce_sum3A_663 : vector<1xf32> to vector<1x1x1xf32>
      %reduce_sum3A_665 = vector.extract %reduce_sum3A_664[0, 0, 0] : f32 from vector<1x1x1xf32>
      %mul3A_666 = arith.constant 2.000000e+00 : f32
      %mul3A_667 = arith.mulf %mul3A_666, %reduce_sum3A_665 : f32
      %add3A_668 = arith.addf %sub3A_653, %mul3A_667 : f32
      %get3A_669 = arith.constant 0 : index
      %get3A_670 = arith.constant 0 : index
      %get3A_671 = vector.load %arg10[%get3A_669, %get3A_670] : memref<8x128xf32, #tpu.memory_space<vmem>>, vector<8x128xf32>
      %eq3A_672 = arith.constant 0 : i32
      %eq3A_673 = vector.broadcast %eq3A_672 : i32 to vector<8x128xi32>
      %eq3A_674 = arith.cmpi eq, %iota3A_246, %eq3A_673 : vector<8x128xi32>
      %eq3A_675 = arith.constant 0 : i32
      %eq3A_676 = vector.broadcast %eq3A_675 : i32 to vector<8x128xi32>
      %eq3A_677 = arith.cmpi eq, %iota3A_247, %eq3A_676 : vector<8x128xi32>
      %and3A_678 = arith.andi %eq3A_674, %eq3A_677 : vector<8x128xi1>
      %jit3A_679 = arith.constant 0.000000e+00 : f32
      %broadcast_in_dim3A_680 = vector.broadcast %square3A_619 : f32 to vector<8x128xf32>
      %broadcast_in_dim3A_681 = vector.broadcast %jit3A_679 : f32 to vector<8x128xf32>
      %select_n3A_682 = arith.select %and3A_678, %broadcast_in_dim3A_680, %broadcast_in_dim3A_681 : vector<8x128xi1>, vector<8x128xf32>
      %eq3A_683 = arith.constant 0 : i32
      %eq3A_684 = vector.broadcast %eq3A_683 : i32 to vector<8x128xi32>
      %eq3A_685 = arith.cmpi eq, %iota3A_246, %eq3A_684 : vector<8x128xi32>
      %eq3A_686 = arith.constant 1 : i32
      %eq3A_687 = vector.broadcast %eq3A_686 : i32 to vector<8x128xi32>
      %eq3A_688 = arith.cmpi eq, %iota3A_247, %eq3A_687 : vector<8x128xi32>
      %and3A_689 = arith.andi %eq3A_685, %eq3A_688 : vector<8x128xi1>
      %jit3A_690 = arith.constant 0.000000e+00 : f32
      %broadcast_in_dim3A_691 = vector.broadcast %square3A_620 : f32 to vector<8x128xf32>
      %broadcast_in_dim3A_692 = vector.broadcast %jit3A_690 : f32 to vector<8x128xf32>
      %select_n3A_693 = arith.select %and3A_689, %broadcast_in_dim3A_691, %broadcast_in_dim3A_692 : vector<8x128xi1>, vector<8x128xf32>
      %add3A_694 = arith.addf %select_n3A_682, %select_n3A_693 : vector<8x128xf32>
      %eq3A_695 = arith.constant 0 : i32
      %eq3A_696 = vector.broadcast %eq3A_695 : i32 to vector<8x128xi32>
      %eq3A_697 = arith.cmpi eq, %iota3A_246, %eq3A_696 : vector<8x128xi32>
      %eq3A_698 = arith.constant 2 : i32
      %eq3A_699 = vector.broadcast %eq3A_698 : i32 to vector<8x128xi32>
      %eq3A_700 = arith.cmpi eq, %iota3A_247, %eq3A_699 : vector<8x128xi32>
      %and3A_701 = arith.andi %eq3A_697, %eq3A_700 : vector<8x128xi1>
      %jit3A_702 = arith.constant 0.000000e+00 : f32
      %broadcast_in_dim3A_703 = vector.broadcast %add3A_625 : f32 to vector<8x128xf32>
      %broadcast_in_dim3A_704 = vector.broadcast %jit3A_702 : f32 to vector<8x128xf32>
      %select_n3A_705 = arith.select %and3A_701, %broadcast_in_dim3A_703, %broadcast_in_dim3A_704 : vector<8x128xi1>, vector<8x128xf32>
      %add3A_706 = arith.addf %add3A_694, %select_n3A_705 : vector<8x128xf32>
      %eq3A_707 = arith.constant 0 : i32
      %eq3A_708 = vector.broadcast %eq3A_707 : i32 to vector<8x128xi32>
      %eq3A_709 = arith.cmpi eq, %iota3A_246, %eq3A_708 : vector<8x128xi32>
      %eq3A_710 = arith.constant 3 : i32
      %eq3A_711 = vector.broadcast %eq3A_710 : i32 to vector<8x128xi32>
      %eq3A_712 = arith.cmpi eq, %iota3A_247, %eq3A_711 : vector<8x128xi32>
      %and3A_713 = arith.andi %eq3A_709, %eq3A_712 : vector<8x128xi1>
      %jit3A_714 = arith.constant 0.000000e+00 : f32
      %broadcast_in_dim3A_715 = vector.broadcast %add3A_636 : f32 to vector<8x128xf32>
      %broadcast_in_dim3A_716 = vector.broadcast %jit3A_714 : f32 to vector<8x128xf32>
      %select_n3A_717 = arith.select %and3A_713, %broadcast_in_dim3A_715, %broadcast_in_dim3A_716 : vector<8x128xi1>, vector<8x128xf32>
      %add3A_718 = arith.addf %add3A_706, %select_n3A_717 : vector<8x128xf32>
      %eq3A_719 = arith.constant 0 : i32
      %eq3A_720 = vector.broadcast %eq3A_719 : i32 to vector<8x128xi32>
      %eq3A_721 = arith.cmpi eq, %iota3A_246, %eq3A_720 : vector<8x128xi32>
      %eq3A_722 = arith.constant 4 : i32
      %eq3A_723 = vector.broadcast %eq3A_722 : i32 to vector<8x128xi32>
      %eq3A_724 = arith.cmpi eq, %iota3A_247, %eq3A_723 : vector<8x128xi32>
      %and3A_725 = arith.andi %eq3A_721, %eq3A_724 : vector<8x128xi1>
      %jit3A_726 = arith.constant 0.000000e+00 : f32
      %broadcast_in_dim3A_727 = vector.broadcast %add3A_668 : f32 to vector<8x128xf32>
      %broadcast_in_dim3A_728 = vector.broadcast %jit3A_726 : f32 to vector<8x128xf32>
      %select_n3A_729 = arith.select %and3A_725, %broadcast_in_dim3A_727, %broadcast_in_dim3A_728 : vector<8x128xi1>, vector<8x128xf32>
      %add3A_730 = arith.addf %add3A_718, %select_n3A_729 : vector<8x128xf32>
      %mul3A_731 = vector.broadcast %reduce_sum3A_392 : f32 to vector<8x128xf32>
      %mul3A_732 = arith.mulf %mul3A_731, %add3A_730 : vector<8x128xf32>
      %add3A_733 = arith.addf %get3A_671, %mul3A_732 : vector<8x128xf32>
      %swap3A_734 = arith.constant 0 : index
      %swap3A_735 = arith.constant 0 : index
      %swap3A_736 = vector.load %arg10[%swap3A_734, %swap3A_735] : memref<8x128xf32, #tpu.memory_space<vmem>>, vector<8x128xf32>
      tpu.vector_store %arg10[%swap3A_734, %swap3A_735], %add3A_733 {strides = array<i32>} : memref<8x128xf32, #tpu.memory_space<vmem>>, vector<8x128xf32>,
    } else {
    }
    return
  }
  func.func @transform_0(%arg0: i32) -> (i32, i32, i32, i32) {
    %c0_i32 = arith.constant 0 : i32
    %c0_i32_0 = arith.constant 0 : i32
    %c0_i32_1 = arith.constant 0 : i32
    %c0_i32_2 = arith.constant 0 : i32
    return %arg0, %c0_i32, %c0_i32_0, %c0_i32_1 : i32, i32, i32, i32
  }
  func.func @transform_1(%arg0: i32) -> (i32, i32, i32) {
    %c0_i32 = arith.constant 0 : i32
    %c0_i32_0 = arith.constant 0 : i32
    %c0_i32_1 = arith.constant 0 : i32
    %c0_i32_2 = arith.constant 0 : i32
    return %c0_i32, %c0_i32_0, %c0_i32_1 : i32, i32, i32
  }
  func.func @transform_2(%arg0: i32) -> (i32, i32, i32) {
    %c0_i32 = arith.constant 0 : i32
    %c0_i32_0 = arith.constant 0 : i32
    %c0_i32_1 = arith.constant 0 : i32
    return %arg0, %c0_i32, %c0_i32_0 : i32, i32, i32
  }
  func.func @transform_3(%arg0: i32) -> (i32, i32, i32) {
    %c0_i32 = arith.constant 0 : i32
    %c0_i32_0 = arith.constant 0 : i32
    %c0_i32_1 = arith.constant 0 : i32
    return %arg0, %c0_i32, %c0_i32_0 : i32, i32, i32
  }
  func.func @transform_4(%arg0: i32) -> (i32, i32, i32) {
    %c0_i32 = arith.constant 0 : i32
    %c0_i32_0 = arith.constant 0 : i32
    %c0_i32_1 = arith.constant 0 : i32
    return %arg0, %c0_i32, %c0_i32_0 : i32, i32, i32
  }
  func.func @transform_5(%arg0: i32) -> (i32, i32) {
    %c0_i32 = arith.constant 0 : i32
    %c0_i32_0 = arith.constant 0 : i32
    %c0_i32_1 = arith.constant 0 : i32
    return %c0_i32, %c0_i32_0 : i32, i32
  }
  func.func @transform_6(%arg0: i32) -> (i32, i32, i32, i32) {
    %c0_i32 = arith.constant 0 : i32
    %c0_i32_0 = arith.constant 0 : i32
    %c0_i32_1 = arith.constant 0 : i32
    %c0_i32_2 = arith.constant 0 : i32
    return %arg0, %c0_i32, %c0_i32_0, %c0_i32_1 : i32, i32, i32, i32
  }
  func.func @transform_7(%arg0: i32) -> (i32, i32) {
    %c0_i32 = arith.constant 0 : i32
    %c0_i32_0 = arith.constant 0 : i32
    %c0_i32_1 = arith.constant 0 : i32
    return %c0_i32, %c0_i32_0 : i32, i32
  }
  func.func @transform_8(%arg0: i32) -> (i32, i32) {
    %c0_i32 = arith.constant 0 : i32
    %c0_i32_0 = arith.constant 0 : i32
    %c0_i32_1 = arith.constant 0 : i32
    return %c0_i32, %c0_i32_0 : i32, i32
  }
  func.func @transform_9(%arg0: i32) -> (i32, i32) {
    %c0_i32 = arith.constant 0 : i32
    %c0_i32_0 = arith.constant 0 : i32
    %c0_i32_1 = arith.constant 0 : i32
    return %c0_i32, %c0_i32_0 : i32, i32
  }
}

</mosaic_0001>

<sc_bundles>
// kernel: kernel.6.cloned.1.call-start
scs
__scs_entry_jumppad:
0x0: {  	(pc) =	sbr.rel $0x88, $3  }
0x1: {  	(tag) =	ssettag $0x0;
	lr =	simm.s32 $0x1  }
0x2: {  	[smem:$0x3F9B] =	sst lr;
	_ =	strace $0xD0000000  }
0x3: {  	_ = 	snop  }
0x4: {  	_ = 	snop  }
0x5: {  	_ = 	snop  }
0x6: {  	_ = 	snop  }
0x7: {  	_ = 	snop  }
__scs_overlays_trampoline_lowered:
0x8: {  	[smem:$0x3FAA] =	sst s0  }
0x9: {  	[smem:$0x3FAB] =	sst s1  }
0xa: {  	[smem:$0x3FAC] =	sst s2  }
0xb: {  	[smem:$0x3FAD] =	sst s3  }
0xc: {  	[smem:$0x3FAE] =	sst s4  }
0xd: {  	[smem:$0x3FAF] =	sst s5  }
0xe: {  	[smem:$0x3FB0] =	sst s6  }
0xf: {  	[smem:$0x3FB1] =	sst s7  }
0x10: {  	[smem:$0x3FB2] =	sst s8  }
0x11: {  	[smem:$0x3FB3] =	sst s9;
	s0 =	simm.s32 @!p0 $0x0  }
0x12: {  	s1 =	sld [smem:$0x3F99];
	s0 =	simm.s32 @p0 $0x1  }
0x13: {  	[smem:$0x3FB4] =	sst s0;
	s0 =	simm.s32 @!p1 $0x0  }
0x14: {  	s2 =	sld [smem:$0x3F98];
	s0 =	simm.s32 @p1 $0x1  }
0x15: {  	[smem:$0x3FB5] =	sst s0;
	s0 =	simm.s32 @!p2 $0x0  }
0x16: {  	s3 =	sld [smem:$0x3FDB];
	s0 =	simm.s32 @p2 $0x1  }
0x17: {  	s4 =	simm.s32 $0x1BF5;
	[smem:$0x3FB7] =	sst s0  }
0x18: {  	s0 =	sld [smem:$0x3F9A];
	_ =	swait.ge [sflag:s4], $0x0  }
0x19: {  	s7 =	sld [smem:$0x3F9B]  }
0x1a: {  	s8 =	sadd.s32 $0xFFFFE003, lr  }
0x1b: {  	s9 =	sadd.s32 $0xFFFFFEF7, lr;
	s5 =	simm.s32 $0xFFFFFFFF;
	p2 =	slt.u32 s8, $0xFFFFF086  }
0x1c: {  	p1 =	slt.u32 s9, $0xF7A;
	s5 =	simm.s32 @!p2 $0x0  }
0x1d: {  	s5 =	simm.s32 @p1 $0x1;
	p0 =	seq.s32 s7, s2  }
0x1e: {  	s7 =	smul.u32 @!p0 $0xF7A, s2;
	p2 =	seq.s32 @!p0 s5, $0x0  }
0x1f: {  	s9 =	smul.u32 $0xF7A, s1;
	s8 =	simm.s32 @!p0 $0x1BF5;
	p2 =	por !p2, p0  }
0x20: {  	[sflag:s8] =	ssyncset.s32 @!p0 $0xFFFFF086;
	s6 =	sadd.s32 @!p0 s3, s7;
	s7 =	simm.s32 @!p0 $0x108  }
0x21: {  	s3 =	sadd.s32 s3, s9;
	s6 =	sadd.s32 @!p0 $0x88, s6;
	s7 =	simm.s32 @p2 $0x1082  }
0x22: {  	[simem:s7], [sflag:s8] =	dma.local @!p0 [hbm:s6], $0xF7A  }
0x23: {  	s9 =	sor.u32 $0xD0000000, s2;
	s6 =	simm.s32 $0x108;
	_ =	swait.ge @!p0 [sflag:s8], $0x0  }
0x24: {  	s3 =	sadd.s32 $0x88, s3;
	s6 =	simm.s32 @!p1 $0x1082;
	[sflag:s4] =	ssyncset.s32 $0xFFFFF086  }
0x25: {  	[simem:s6], [sflag:s4] =	dma.local [hbm:s3], $0xF7A  }
0x26: {  	[smem:$0x3F9B] =	sst s1;
	(tag) =	ssettag s2;
	_ =	strace s9  }
0x27: {  	s1 =	sld [smem:$0x3FAB]  }
0x28: {  	s2 =	sld [smem:$0x3FAC]  }
0x29: {  	s4 =	sld [smem:$0x3FAE]  }
0x2a: {  	p0 =	seq.s32 s5, $0x0;
	s5 =	sld [smem:$0x3FAF]  }
0x2b: {  	s6 =	sld [smem:$0x3FB0]  }
0x2c: {  	s7 =	sld [smem:$0x3FB1]  }
0x2d: {  	s3 =	simm.s32 $0x108;
	s8 =	sld [smem:$0x3FB2]  }
0x2e: {  	s3 =	simm.s32 @!p0 $0x1082;
	s9 =	sld [smem:$0x3FB3]  }
0x2f: {  	lr =	sadd.s32 s0, s3;
	s0 =	sld [smem:$0x3FAA]  }
0x30: {  	s3 =	sld [smem:$0x3FAD]  }
0x31: {  	[smem:$0x3FB6] =	sst s10  }
0x32: {  	s10 =	sld [smem:$0x3FB4];
	_ =	sdelay $0x3  }
0x33: {  	p0 =	seq.s32 s10, $0x1;
	s10 =	sld [smem:$0x3FB6];
	_ =	sdelay $0x3  }
0x34: {  	[smem:$0x3FB6] =	sst s10  }
0x35: {  	s10 =	sld [smem:$0x3FB5];
	_ =	sdelay $0x3  }
0x36: {  	p1 =	seq.s32 s10, $0x1;
	s10 =	sld [smem:$0x3FB6];
	_ =	sdelay $0x3  }
0x37: {  	[smem:$0x3FB6] =	sst s10  }
0x38: {  	s10 =	sld [smem:$0x3FB7]  }
0x39: {  	_ = 	snop;
	(pc) =	sbr.ind lr, $3  }
0x3a: {  	_ = 	snop  }
0x3b: {  	_ = 	snop  }
0x3c: {  	p2 =	seq.s32 s10, $0x1;
	s10 =	sld [smem:$0x3FB6]  }
0x3d: {  	_ =	shalt  }
0x3e: {  	_ =	shalt  }
0x3f: {  	_ =	shalt  }
0x40: {  	_ =	shalt  }
0x41: {  	_ =	shalt  }
0x42: {  	_ =	shalt  }
0x43: {  	_ =	shalt  }
0x44: {  	_ =	shalt  }
0x45: {  	_ =	shalt  }
0x46: {  	_ =	shalt  }
0x47: {  	_ =	shalt  }
0x48: {  	_ =	shalt  }
0x49: {  	_ =	shalt  }
0x4a: {  	_ =	shalt  }
0x4b: {  	_ =	shalt  }
0x4c: {  	_ =	shalt  }
0x4d: {  	_ =	shalt  }
0x4e: {  	_ =	shalt  }
0x4f: {  	_ =	shalt  }
0x50: {  	_ =	shalt  }
0x51: {  	_ =	shalt  }
0x52: {  	_ =	shalt  }
0x53: {  	_ =	shalt  }
0x54: {  	_ =	shalt  }
0x55: {  	_ =	shalt  }
0x56: {  	_ =	shalt  }
0x57: {  	_ =	shalt  }
0x58: {  	_ =	shalt  }
0x59: {  	_ =	shalt  }
0x5a: {  	_ =	shalt  }
0x5b: {  	_ =	shalt  }
0x5c: {  	_ =	shalt  }
0x5d: {  	_ =	shalt  }
0x5e: {  	_ =	shalt  }
0x5f: {  	_ =	shalt  }
0x60: {  	_ =	shalt  }
0x61: {  	_ =	shalt  }
0x62: {  	_ =	shalt  }
0x63: {  	_ =	shalt  }
0x64: {  	_ =	shalt  }
0x65: {  	_ =	shalt  }
0x66: {  	_ =	shalt  }
0x67: {  	_ =	shalt  }
0x68: {  	_ =	shalt  }
0x69: {  	_ =	shalt  }
0x6a: {  	_ =	shalt  }
0x6b: {  	_ =	shalt  }
0x6c: {  	_ =	shalt  }
0x6d: {  	_ =	shalt  }
0x6e: {  	_ =	shalt  }
0x6f: {  	_ =	shalt  }
0x70: {  	_ =	shalt  }
0x71: {  	_ =	shalt  }
0x72: {  	_ =	shalt  }
0x73: {  	_ =	shalt  }
0x74: {  	_ =	shalt  }
0x75: {  	_ =	shalt  }
0x76: {  	_ =	shalt  }
0x77: {  	_ =	shalt  }
0x78: {  	_ =	shalt  }
0x79: {  	_ =	shalt  }
0x7a: {  	_ =	shalt  }
0x7b: {  	_ =	shalt  }
0x7c: {  	_ =	shalt  }
0x7d: {  	_ =	shalt  }
0x7e: {  	_ =	shalt  }
0x7f: {  	_ =	shalt  }
0x80: {  	_ =	shalt  }
0x81: {  	_ =	shalt  }
0x82: {  	_ =	shalt  }
0x83: {  	_ =	shalt  }
0x84: {  	_ =	shalt  }
0x85: {  	_ =	shalt  }
0x86: {  	_ =	shalt  }
0x87: {  	_ =	shalt  }
.Lfunc_end0:
.L_simem_size_0:
called_computation_lowered:
.L_overlay_start_0:
0x88: {  	s2 =	sld [smem:$0x3FD9]  }
0x89: {  	s3 =	sld [smem:$0x3FFE];
	_ =	sdelay $0x1  }
0x8a: {  	s1 =	srdreg.scid  }
0x8b: {  	s0 =	sand.u32 $0x1, s1  }
0x8c: {  	s16 =	sshll.u32 s0, $0xA;
	s2 =	sadd.s32 s3, s2  }
0x8d: {  	s2 =	sadd.s32 s2, s16  }
0x8e: {  	[smem:$0x3FC2] =	sst s2  }
0x8f: {  	_ = 	snop  }
0x90: {  	(tm) =	ssettm $0x1  }
0x91: {  	s17 =	sld [smem:$0x3FFB];
	_ =	sdelay $0x3  }
0x92: {  	_ =	strace s17  }
0x93: {  	s2 =	sld [smem:$0x3FFC];
	_ =	sdelay $0x3  }
0x94: {  	_ =	strace s2  }
0x95: {  	s2 =	sld [smem:$0x3FFD];
	_ =	sdelay $0x3  }
0x96: {  	_ =	strace s2  }
0x97: {  	_ =	strace $0x8FFFFFFF  }
0x98: {  	s18 =	sld [smem:$0x3FDB];
	_ =	sdelay $0x1  }
0x99: {  	s19 =	simm.s32 $_scs_section_size  }
0x9a: {  	s4 =	simm.s32 $_size__tile_overlayer_lowered;
	s5 =	simm.s32 $_tile_overlayer_lowered  }
0x9b: {  	s22 =	simm.s32 $0x1BFF;
	s21 =	sshll.u32 s5, $0x1;
	s2 =	sadd.s32 s19, s18  }
0x9c: {  	s6 =	simm.s32 $0x0;
	s20 =	sshll.u32 s4, $0x1;
	s4 =	sadd.s32 s21, s2  }
0x9d: {  	[timem:s6], [sflag:s22] =	dma.local [hbm:s4], s20  }
0x9e: {  	_ =	swait.ge [sflag:s22], s20  }
0x9f: {  	s3 =	ssub.s32 $0x0, s20;
	[sflag:s22] =	ssyncset.done $0x0  }
0xa0: {  	[sflag:s22] =	ssyncadd.s32 s3;
	_ =	sdelay $0x1  }
0xa1: {  	s23 =	simm.s32 $0x1B8B  }
0xa2: {  	_ =	swait.ge [sflag:s23], $0x1  }
0xa3: {  	[sflag:s23] =	ssyncset.done $0x0  }
0xa4: {  	s25 =	simm.s32 $0x1B8E;
	s24 =	sld [smem:$0x3FFE];
	[sflag:s23] =	ssyncadd.s32 $0xFFFFFFFF  }
0xa5: {  	s26 =	simm.s32 $execute0_lowered;
	[smem:$0x3FD2] =	sst s25  }
0xa6: {  	s4 =	sshll.u32 s26, $0x1;
	_ =	strace $0x80000046;
	[dreg:$0x1] =	wrdreg $0xFFFFFFFF  }
0xa7: {  	s28 =	simm.s32 $_size_execute0_lowered;
	s2 =	sadd.s32 s2, s4;
	[dreg:$0x0] =	wrdreg $0x0  }
0xa8: {  	s4 =	sshll.u32 s28, $0x1;
	[dreg:$0x2] =	wrdreg s2  }
0xa9: {  	[dreg:$0x3] =	wrdreg s4  }
0xaa: {  	[dreg:$0x4] =	wrdreg $0xC0  }
0xab: {  	_ =	task [dreg:s6], $0x5FFFF  }
0xac: {  	[dreg:$0x1] =	wrdreg $0xFFFFFFFF  }
0xad: {  	[dreg:$0x0] =	wrdreg $0x60  }
0xae: {  	[dreg:$0x2] =	wrdreg s24  }
0xaf: {  	[dreg:$0x3] =	wrdreg $0x9  }
0xb0: {  	_ =	task.clear_ibuf [dreg:s6], $0x4FFFF;
	_ =	strace $0x90000046  }
0xb1: {  	s29 =	simm.s32 $0x9;
	_ =	strace $0x80000048  }
0xb2: {  	_ =	swait.ge [sflag:s29], $0x1  }
0xb3: {  	[sflag:s29] =	ssyncadd.s32 $0xFFFFFFFF  }
0xb4: {  	_ =	strace $0x90000048  }
0xb5: {  	_ =	sfence  }
0xb6: {  	s30 =	sld [smem:$0x0];
	_ =	sdelay $0x2  }
0xb7: {  	s31 =	sshll.u32 s1, $0xD;
	s1 =	sshrl.u32 s1, $0x2  }
0xb8: {  	s3 =	sand.u32 $0x4000, s31;
	s1 =	sadd.s32 s1, s30  }
0xb9: {  	s0 =	sor.u32 s3, s0;
	s1 =	sshll.u32 s1, $0x11  }
0xba: {  	s0 =	sor.u32 s1, s0  }
0xbb: {  	s0 =	sadd.s32 $0x8F2B, s0  }
0xbc: {  	[sflag:s0] =	ssyncadd.remote.s32 $0x1  }
0xbd: {  	_ =	sfence.sel $0xFFFF  }
0xbe: {  	[dreg:$0x0] =	wrdreg $0xFFFFFFFF;
	(pc) =	sbr.abs _section_cstart, $3  }
0xbf: {  	[dreg:$0x1] =	wrdreg $0xFFFFFFFF  }
0xc0: {  	_ =	task.clear_ibuf [dreg:s6], $0x2FFFF;
	_ =	strace $0x9FFFFFFF  }
0xc1: {  	(tm) =	ssettm $0x7FFFFFFF  }
tec
execute0_lowered:
.L_overlay_start_1:
0x0: {  	(tag) =	ssettag $0x1  }
0x1: {  	s1 =	srdreg.scid  }
0x2: {  	s0 =	stileid.u32;
	s6 =	sand.u32 $0x1, s1  }
0x3: {  	s8 =	rddreg [dreg:$0x0];
	s30 =	sshll.u32 s0, $0x5;
	s2 =	sshll.u32 s6, $0x4  }
0x4: {  	s1 =	rddreg [dreg:$0x1];
	s5 =	sadd.s32 $0x200, s8;
	s7 =	sor.u32 s2, s30  }
0x5: {  	s10 =	ssub.s32 $0x2, s6;
	s2 =	simm.s32 $0x0;
	s3 =	sshrl.u32 s7, $0x3  }
0x6: {  	s6 =	simm.s32 $0x10;
	[smem:$0x7FF] =	sst s2;
	s3 =	sadd.s32 s3, s8  }
0x7: {  	_ =	strace $0x80000047;
	s4 =	sadd.s32 $0xB800, s3;
	s3 =	simm.s32 $0x2  }
0x8: {  	[tilespmem:s2], [sflag:$0x2] =	stream.linear.gather [hbm4b:s4+s2], $0x10, $0x38;
	[tilespmem:$0x2D10] =	vst v63  }
0x9: {  	s11 =	sshrl.u32 s10, $0x1;
	s9 =	smul.u32 $0x5A, s7;
	_ =	swait.ge [sflag:s3], $0x10  }
0xa: {  	s7 =	simm.s32 $0x1;
	s31 =	ssub.s32 s10, s11;
	[sflag:s3] =	ssyncset.done $0x0  }
0xb: {  	s8 =	sadd.s32 s9, s8;
	s9 =	smax.u32 s31, $0x1;
	[sflag:s3] =	ssyncadd.s32 $0xFFFFFFF0  }
0xc: {  	[tilespmem:s6], [sflag:$0x1] =	stream.indirect.gather [hbm4b:s5+s6], $0x2D0, s2, s6, $0xb8;
	[tilespmem:$0x2D10] =	vst v63  }
0xd: {  	p0 =	sne.s32 s9, $0x1;
	_ =	swait.ge [sflag:s7], $0x2D00  }
.Ltmp0:
0xe: {  	[sflag:s7] =	ssyncset.done $0x0;
	(pc) =	sbr.rel @!p0 .LBB2_2-.Ltmp0, $4  }
0xf: {  	s8 =	sadd.s32 $0xBA00, s8;
	[sflag:s7] =	ssyncadd.s32 $0xFFFFD300  }
0x10: {  	[hbm4b:s8+s2] =	stream.linear.scatter [tilespmem:s6], [sflag:$0x2], $0x2D00, $0x38;
	[tilespmem:$0x2D10] =	vst v63  }
0x11: {  	_ =	swait.ge [sflag:s3], $0x2D00  }
0x12: {  	s9 =	sadd.s32 $0xFFFFFFFF, s9;
	[sflag:s3] =	ssyncset.done $0x0  }
.LBB2_1:
0x13: {  	p0 =	sne.s32 s9, $0x1;
	s9 =	sadd.s32 $0xFFFFFFFF, s9;
	[sflag:s3] =	ssyncadd.s32 $0xFFFFD300  }
0x14: {  	[tilespmem:s2], [sflag:$0x2] =	stream.linear.gather [hbm4b:s4+s2], $0x10, $0x38;
	[tilespmem:$0x2D10] =	vst v63  }
0x15: {  	_ =	swait.ge [sflag:s3], $0x10  }
0x16: {  	[sflag:s3] =	ssyncset.done $0x0  }
0x17: {  	[sflag:s3] =	ssyncadd.s32 $0xFFFFFFF0  }
0x18: {  	[tilespmem:s6], [sflag:$0x1] =	stream.indirect.gather [hbm4b:s5+s6], $0x2D0, s2, s6, $0xb8;
	[tilespmem:$0x2D10] =	vst v63  }
0x19: {  	_ =	swait.ge [sflag:s7], $0x2D00  }
.Ltmp1:
0x1a: {  	[sflag:s7] =	ssyncset.done $0x0;
	(pc) =	sbr.rel @p0 .LBB2_1-.Ltmp1, $4  }
0x1b: {  	[sflag:s7] =	ssyncadd.s32 $0xFFFFD300  }
0x1c: {  	[hbm4b:s8+s2] =	stream.linear.scatter [tilespmem:s6], [sflag:$0x2], $0x2D00, $0x38;
	[tilespmem:$0x2D10] =	vst v63  }
0x1d: {  	_ =	swait.ge [sflag:s3], $0x2D00  }
0x1e: {  	[sflag:s3] =	ssyncset.done $0x0  }
.LBB2_2:
0x1f: {  	[sflag:s3] =	ssyncadd.s32 $0xFFFFD300  }
0x20: {  	_ =	sfence.sel $0x180000  }
0x21: {  	[bflag:$0x0] =	sbarrier.arrive $0xFFFF  }
0x22: {  	p0 =	sne.s32 s0, $0x0;
	_ =	strace $0x90000047  }
0x23: {  	s0 =	sadd.s32 @!p0 $0x100000, s1;
	[bflag:$0x2] =	sbarrier.arrive $0xFFFF  }
0x24: {  	[sflag:s0] =	ssyncadd.tile.s32 @!p0 $0x1;
	_ =	shalt  }
.Lfunc_end2:
_tile_overlayer_lowered:
.L_overlay_start_2:
0x25: {  	(tag) =	ssettag $0x2  }
0x26: {  	s0 =	rddreg [dreg:$0x0];
	s2 =	stileid.u32  }
0x27: {  	s1 =	rddreg [dreg:$0x1];
	p0 =	sne.s32 s2, $0x0  }
0x28: {  	s3 =	rddreg [dreg:$0x2];
	[bflag:$0x3] =	sbarrier.arrive $0xFFFF;
	s2 =	simm.s32 @!p0 $0x1C02  }
0x29: {  	[timem:s3], [sflag:s2] =	dma.local @!p0 [hbm:s0], s1  }
0x2a: {  	s0 =	simm.s32 @!p0 $0x2  }
0x2b: {  	_ =	swait.ge @!p0 [sflag:s0], s1  }
0x2c: {  	s1 =	ssub.s32 @!p0 $0x0, s1;
	[sflag:s0] =	ssyncset.done @!p0 $0x0  }
0x2d: {  	[sflag:s0] =	ssyncadd.s32 @!p0 s1  }
0x2e: {  	[bflag:$0x3] =	sbarrier.arrive $0xFFFF  }
0x2f: {  	_ =	shalt  }

</sc_bundles>
